<compile_context>
chip_gen: v7x
topology: tpu7x:2x2x1
jax: 0.10.2.dev20260603
libtpu: 0.0.44.dev20260713+nightly
codegen_flags: <defaults>
</compile_context>

<pallas_src>
import jax
import jax.numpy as jnp
from jax import lax
from jax.experimental import pallas as pl
from jax.experimental.pallas import tpu as pltpu
from jax.experimental.pallas import tpu_sc as plsc

N = 10000
E = 320000
D = 128

NC = 2
NS = 16
L = 16
NW = NC * NS
EPW = E // NW
B = 80
NB = EPW // B
CH = 80
NCH = N // CH
DCHUNK = 1000


def _sc_body(x_hbm, eidx_hbm, hpart, dpart,
             idx0, idx1, srows0, srows1, drows0, drows1, pbuf, dzero, didxbuf,
             h_sh, d_sh, semI0, semI1, semS0, semS1, semD0, semD1):
  c = lax.axis_index("c")
  s = lax.axis_index("s")
  wid = s * NC + c

  zv = jnp.zeros((L,), jnp.float32)

  def zrow(i, _):
    for j in range(D // L):
      srows0[i, pl.ds(j * L, L)] = zv
    return 0
  lax.fori_loop(0, B, zrow, 0)

  def zd(i, _):
    dzero[pl.ds(i * L, L)] = zv
    return 0
  lax.fori_loop(0, DCHUNK // L, zd, 0)
  dzero[pl.ds(DCHUNK - L, L)] = zv

  for i in range((NCH + NS - 1) // NS):
    ch = s + i * NS
    @pl.when(ch < NCH)
    def _():
      pltpu.sync_copy(srows0, h_sh.at[pl.ds(ch * CH, CH)])

  @pl.when(s < N // DCHUNK)
  def _():
    pltpu.sync_copy(dzero, d_sh.at[pl.ds(s * DCHUNK, DCHUNK)])

  plsc.subcore_barrier()

  idx_ = (idx0, idx1)
  srows_ = (srows0, srows1)
  drows_ = (drows0, drows1)
  semI = (semI0, semI1)
  semS = (semS0, semS1)
  semD = (semD0, semD1)

  def fire_idx(b, slot):
    pltpu.async_copy(eidx_hbm.at[wid, b], idx_[slot], semI[slot])

  def wait_idx(b, slot):
    pltpu.make_async_copy(eidx_hbm.at[wid, b], idx_[slot], semI[slot]).wait()

  def fire_rows(b, slot):
    pltpu.async_copy(x_hbm.at[idx_[slot].at[0]], srows_[slot], semS[slot])
    pltpu.async_copy(x_hbm.at[idx_[slot].at[1]], drows_[slot], semD[slot])

  def wait_rows(b, slot):
    pltpu.make_async_copy(x_hbm.at[idx_[slot].at[0]], srows_[slot], semS[slot]).wait()
    pltpu.make_async_copy(x_hbm.at[idx_[slot].at[1]], drows_[slot], semD[slot]).wait()

  def compute(b, slot):
    srows = srows_[slot]
    drows = drows_[slot]
    for g in range(B // L):
      pbuf[pl.ds(g * L, L)] = jnp.full((L,), 1.0, jnp.float32) + drows[0, pl.ds(0, L)] * 0.0

    pltpu.sync_copy(srows, h_sh.at[didxbuf], add=True)
    pltpu.sync_copy(pbuf, d_sh.at[didxbuf], add=True)

  pltpu.sync_copy(eidx_hbm.at[wid, 0], idx0)
  pltpu.sync_copy(eidx_hbm.at[wid, 1], idx1)
  fire_rows(0, 0)
  fire_rows(1, 1)

  def one(b, slot):
    @pl.when(b < NB)
    def _():
      wait_rows(b, slot)
      for g2 in range(B // L):
        didxbuf[pl.ds(g2 * L, L)] = idx_[slot][1, pl.ds(g2 * L, L)]
      @pl.when(b + 2 < NB)
      def _():
        fire_idx(b + 2, slot)
      compute(b, slot)
      @pl.when(b + 2 < NB)
      def _():
        wait_idx(b + 2, slot)
        fire_rows(b + 2, slot)

  def pair(t, _):
    b = 2 * t
    one(b, 0)
    one(b + 1, 1)
    return 0

  lax.fori_loop(0, (NB + 1) // 2, pair, 0)

  plsc.subcore_barrier()

  for i in range((NCH + NS - 1) // NS):
    ch = s + i * NS
    @pl.when(ch < NCH)
    def _():
      pltpu.sync_copy(h_sh.at[pl.ds(ch * CH, CH)], hpart.at[c, pl.ds(ch * CH, CH)])

  @pl.when(s < N // DCHUNK)
  def _():
    pltpu.sync_copy(d_sh.at[pl.ds(s * DCHUNK, DCHUNK)], dzero)
    pltpu.sync_copy(dzero, dpart.at[pl.ds(c * N + s * DCHUNK, DCHUNK)])


def _combine_body(h_ref, d_ref, o_ref):
  hs = h_ref[0] + h_ref[1]
  d = d_ref[0] + d_ref[1]
  safe = jnp.where(d > 0, d, 1.0)
  o_ref[...] = jnp.maximum(jnp.where(d > 0, hs / safe, 0.0), 0.0)


@jax.jit
def kernel(x, edge_index):
  eidx = (edge_index.astype(jnp.int32)
          .reshape(2, NW, NB, B).transpose(1, 2, 0, 3))

  mesh = plsc.VectorSubcoreMesh(core_axis_name="c", subcore_axis_name="s",
                                num_cores=NC, num_subcores=NS)
  sc_gat = pl.kernel(
      _sc_body,
      out_type=[jax.ShapeDtypeStruct((NC, N, D), jnp.float32),
                jax.ShapeDtypeStruct((NC * N,), jnp.float32)],
      mesh=mesh,
      compiler_params=pltpu.CompilerParams(needs_layout_passes=False),
      scratch_types=[
          pltpu.VMEM((2, B), jnp.int32),
          pltpu.VMEM((2, B), jnp.int32),
          pltpu.VMEM((B, D), jnp.float32),
          pltpu.VMEM((B, D), jnp.float32),
          pltpu.VMEM((B, D), jnp.float32),
          pltpu.VMEM((B, D), jnp.float32),
          pltpu.VMEM((B,), jnp.float32),
          pltpu.VMEM((DCHUNK,), jnp.float32),
          pltpu.VMEM((B,), jnp.int32),
          pltpu.VMEM_SHARED((N, D), jnp.float32),
          pltpu.VMEM_SHARED((N,), jnp.float32),
          pltpu.SemaphoreType.DMA,
          pltpu.SemaphoreType.DMA,
          pltpu.SemaphoreType.DMA,
          pltpu.SemaphoreType.DMA,
          pltpu.SemaphoreType.DMA,
          pltpu.SemaphoreType.DMA,
      ],
  )
  hpart, dpart = sc_gat(x, eidx)

  BN = 1000
  combine = pl.pallas_call(
      _combine_body,
      grid=(N // BN,),
      in_specs=[pl.BlockSpec((NC, BN, D), lambda i: (0, i, 0)),
                pl.BlockSpec((NC, BN, 1), lambda i: (0, i, 0))],
      out_specs=pl.BlockSpec((BN, D), lambda i: (i, 0)),
      out_shape=jax.ShapeDtypeStruct((N, D), jnp.float32),
  )
  return combine(hpart, dpart.reshape(NC, N, 1))

# --- scband reference (transcript-rebuilt; emitter-appended) ---
"""Pipeline reference for scband-activation-gatsingle-head-layer-83476984365544 (READ-ONLY COPY).

The authoritative reference and input builder live on the scoring server;
editing this copy changes nothing except your own understanding.
"""

import jax, jax.numpy as jnp
import numpy as np

N = 10000
E = 320000
D = 128


def setup_inputs(seed: int = 0) -> dict:
    key = jax.random.key(seed)
    k1, k2 = jax.random.split(key)
    x = jax.random.normal(k1, (N, D), dtype=jnp.float32)
    edge_index = jax.random.randint(k2, (2, E), 0, N).astype(jnp.int64)
    return {"x": x, "edge_index": edge_index}


def reference(x, edge_index):
    # ActivationGATSingleHeadLayer forward (activation=relu, dropout=0.0, batch_norm=False)
    src = edge_index[0]
    dst = edge_index[1]
    z = x
    # edge_attention: e = attn_activation(<z_src, z_dst>) per edge (bmm of 1xS by Sx1)
    e = jax.nn.relu(jnp.sum(z[src] * z[dst], axis=-1))
    # reduce_func: softmax of e over incoming edges of each destination node
    m = jax.ops.segment_max(e, dst, num_segments=N)
    m = jax.lax.stop_gradient(m)
    m_safe = jnp.where(jnp.isfinite(m), m, 0.0)
    ex = jnp.exp(e - m_safe[dst])
    denom = jax.ops.segment_sum(ex, dst, num_segments=N)
    alpha = ex / denom[dst]
    # h = sum_j alpha_ij * z_j  (scatter-add over dst); dropout(p=0) is identity
    h = jax.ops.segment_sum(alpha[:, None] * z[src], dst, num_segments=N)
    # batch_norm=False -> skip batchnorm_h; then activation, then dropout (identity)
    h = jax.nn.relu(h)
    return h

if __name__ == "__main__":
    import jax
    _d = setup_inputs()
    print(jax.jit(kernel)(*tuple(_d.values())))

</pallas_src>

<mosaic_0001>
#map = affine_map<(d0, d1) -> (0, 0)>
#map1 = affine_map<(d0, d1) -> (0, 0, 0, 0)>
#map2 = affine_map<(d0, d1) -> (0, 0, 0)>
#map3 = affine_map<(d0, d1) -> (0)>
module attributes {stable_mosaic.version = 14 : i64} {
  func.func @_sc_body(%arg0: i32, %arg1: i32, %arg2: memref<10000x128xf32, #tpu.memory_space<hbm>>, %arg3: memref<32x125x2x80xi32, #tpu.memory_space<hbm>>, %arg4: memref<2x10000x128xf32, #tpu.memory_space<hbm>>, %arg5: memref<20000xf32, #tpu.memory_space<hbm>>, %arg6: memref<2x80xi32, #tpu.memory_space<vmem>>, %arg7: memref<2x80xi32, #tpu.memory_space<vmem>>, %arg8: memref<80x128xf32, #tpu.memory_space<vmem>>, %arg9: memref<80x128xf32, #tpu.memory_space<vmem>>, %arg10: memref<80x128xf32, #tpu.memory_space<vmem>>, %arg11: memref<80x128xf32, #tpu.memory_space<vmem>>, %arg12: memref<80xf32, #tpu.memory_space<vmem>>, %arg13: memref<1000xf32, #tpu.memory_space<vmem>>, %arg14: memref<80xi32, #tpu.memory_space<vmem>>, %arg15: memref<10000x128xf32, #tpu.memory_space<vmem_shared>>, %arg16: memref<10000xf32, #tpu.memory_space<vmem_shared>>, %arg17: memref<!tpu.dma_semaphore, #tpu.memory_space<semaphore_mem>>, %arg18: memref<!tpu.dma_semaphore, #tpu.memory_space<semaphore_mem>>, %arg19: memref<!tpu.dma_semaphore, #tpu.memory_space<semaphore_mem>>, %arg20: memref<!tpu.dma_semaphore, #tpu.memory_space<semaphore_mem>>, %arg21: memref<!tpu.dma_semaphore, #tpu.memory_space<semaphore_mem>>, %arg22: memref<!tpu.dma_semaphore, #tpu.memory_space<semaphore_mem>>) attributes {dimension_semantics = [#tpu.dimension_semantics<core_parallel>, #tpu.dimension_semantics<subcore_parallel>], iteration_bounds = array<i64: 2, 16>, scalar_prefetch = 0 : i64, scratch_operands = 17 : i64, tpu.core_type = #tpu.core_type<sc_vector_subcore>, window_params = [{transform_indices = #map}, {transform_indices = #map1}, {transform_indices = #map2}, {transform_indices = #map3}]} {
    %mul3A = arith.constant 2 : i32
    %mul3A_0 = arith.muli %arg1, %mul3A : i32
    %add3A = arith.addi %mul3A_0, %arg0 : i32
    %broadcast_in_dim3A = arith.constant 0.000000e+00 : f32
    %broadcast_in_dim3A_1 = vector.broadcast %broadcast_in_dim3A : f32 to vector<16xf32>
    %scan3A = arith.constant 0 : i32
    %scan3A_2 = arith.constant 0 : i32
    %scan3A_3 = arith.constant 80 : i32
    %scan3A_4 = arith.addi %scan3A_2, %scan3A_3 : i32
    %scan3A_5 = arith.constant 1 : i32
    %scan3A_6 = scf.for %scan3A_171 = %scan3A_2 to %scan3A_4 step %scan3A_5 iter_args(%scan3A_172 = %scan3A) -> (i32)  : i32 {
      %swap3A_173 = arith.index_cast %scan3A_171 : i32 to index
      %swap3A_174 = arith.constant 0 : index
      %swap3A_175 = tpu.vector_load %arg8[%swap3A_173, %swap3A_174] {strides = array<i32>} : memref<80x128xf32, #tpu.memory_space<vmem>>, vector<16xf32>,
      tpu.vector_store %arg8[%swap3A_173, %swap3A_174], %broadcast_in_dim3A_1 {strides = array<i32>} : memref<80x128xf32, #tpu.memory_space<vmem>>, vector<16xf32>,
      %swap3A_176 = arith.index_cast %scan3A_171 : i32 to index
      %swap3A_177 = arith.constant 16 : index
      %swap3A_178 = tpu.vector_load %arg8[%swap3A_176, %swap3A_177] {strides = array<i32>} : memref<80x128xf32, #tpu.memory_space<vmem>>, vector<16xf32>,
      tpu.vector_store %arg8[%swap3A_176, %swap3A_177], %broadcast_in_dim3A_1 {strides = array<i32>} : memref<80x128xf32, #tpu.memory_space<vmem>>, vector<16xf32>,
      %swap3A_179 = arith.index_cast %scan3A_171 : i32 to index
      %swap3A_180 = arith.constant 32 : index
      %swap3A_181 = tpu.vector_load %arg8[%swap3A_179, %swap3A_180] {strides = array<i32>} : memref<80x128xf32, #tpu.memory_space<vmem>>, vector<16xf32>,
      tpu.vector_store %arg8[%swap3A_179, %swap3A_180], %broadcast_in_dim3A_1 {strides = array<i32>} : memref<80x128xf32, #tpu.memory_space<vmem>>, vector<16xf32>,
      %swap3A_182 = arith.index_cast %scan3A_171 : i32 to index
      %swap3A_183 = arith.constant 48 : index
      %swap3A_184 = tpu.vector_load %arg8[%swap3A_182, %swap3A_183] {strides = array<i32>} : memref<80x128xf32, #tpu.memory_space<vmem>>, vector<16xf32>,
      tpu.vector_store %arg8[%swap3A_182, %swap3A_183], %broadcast_in_dim3A_1 {strides = array<i32>} : memref<80x128xf32, #tpu.memory_space<vmem>>, vector<16xf32>,
      %swap3A_185 = arith.index_cast %scan3A_171 : i32 to index
      %swap3A_186 = arith.constant 64 : index
      %swap3A_187 = tpu.vector_load %arg8[%swap3A_185, %swap3A_186] {strides = array<i32>} : memref<80x128xf32, #tpu.memory_space<vmem>>, vector<16xf32>,
      tpu.vector_store %arg8[%swap3A_185, %swap3A_186], %broadcast_in_dim3A_1 {strides = array<i32>} : memref<80x128xf32, #tpu.memory_space<vmem>>, vector<16xf32>,
      %swap3A_188 = arith.index_cast %scan3A_171 : i32 to index
      %swap3A_189 = arith.constant 80 : index
      %swap3A_190 = tpu.vector_load %arg8[%swap3A_188, %swap3A_189] {strides = array<i32>} : memref<80x128xf32, #tpu.memory_space<vmem>>, vector<16xf32>,
      tpu.vector_store %arg8[%swap3A_188, %swap3A_189], %broadcast_in_dim3A_1 {strides = array<i32>} : memref<80x128xf32, #tpu.memory_space<vmem>>, vector<16xf32>,
      %swap3A_191 = arith.index_cast %scan3A_171 : i32 to index
      %swap3A_192 = arith.constant 96 : index
      %swap3A_193 = tpu.vector_load %arg8[%swap3A_191, %swap3A_192] {strides = array<i32>} : memref<80x128xf32, #tpu.memory_space<vmem>>, vector<16xf32>,
      tpu.vector_store %arg8[%swap3A_191, %swap3A_192], %broadcast_in_dim3A_1 {strides = array<i32>} : memref<80x128xf32, #tpu.memory_space<vmem>>, vector<16xf32>,
      %swap3A_194 = arith.index_cast %scan3A_171 : i32 to index
      %swap3A_195 = arith.constant 112 : index
      %swap3A_196 = tpu.vector_load %arg8[%swap3A_194, %swap3A_195] {strides = array<i32>} : memref<80x128xf32, #tpu.memory_space<vmem>>, vector<16xf32>,
      tpu.vector_store %arg8[%swap3A_194, %swap3A_195], %broadcast_in_dim3A_1 {strides = array<i32>} : memref<80x128xf32, #tpu.memory_space<vmem>>, vector<16xf32>,
      %scan3A_197 = arith.constant 0 : i32
      scf.yield %scan3A_197 : i32
    }
    %scan3A_7 = arith.constant 80 : i32
    %scan3A_8 = arith.constant 0 : i32
    %scan3A_9 = arith.constant 0 : i32
    %scan3A_10 = arith.constant 62 : i32
    %scan3A_11 = arith.addi %scan3A_9, %scan3A_10 : i32
    %scan3A_12 = arith.constant 1 : i32
    %scan3A_13 = scf.for %scan3A_171 = %scan3A_9 to %scan3A_11 step %scan3A_12 iter_args(%scan3A_172 = %scan3A_8) -> (i32)  : i32 {
      %mul3A_173 = arith.constant 16 : i32
      %mul3A_174 = arith.muli %scan3A_171, %mul3A_173 : i32
      %swap3A_175 = arith.index_cast %mul3A_174 : i32 to index
      %swap3A_176 = tpu.vector_load %arg13[%swap3A_175] {strides = array<i32>} : memref<1000xf32, #tpu.memory_space<vmem>>, vector<16xf32>,
      tpu.vector_store %arg13[%swap3A_175], %broadcast_in_dim3A_1 {strides = array<i32>} : memref<1000xf32, #tpu.memory_space<vmem>>, vector<16xf32>,
      %scan3A_177 = arith.constant 0 : i32
      scf.yield %scan3A_177 : i32
    }
    %scan3A_14 = arith.constant 62 : i32
    %swap3A = arith.constant 984 : index
    %swap3A_15 = tpu.vector_load %arg13[%swap3A] {strides = array<i32>} : memref<1000xf32, #tpu.memory_space<vmem>>, vector<16xf32>,
    tpu.vector_store %arg13[%swap3A], %broadcast_in_dim3A_1 {strides = array<i32>} : memref<1000xf32, #tpu.memory_space<vmem>>, vector<16xf32>,
    %add3A_16 = arith.constant 0 : i32
    %add3A_17 = arith.addi %arg1, %add3A_16 : i32
    %lt3A = arith.constant 125 : i32
    %lt3A_18 = arith.cmpi slt, %add3A_17, %lt3A : i32
    %convert_element_type3A = arith.extui %lt3A_18 : i1 to i32
    %cond3A = arith.constant 0 : i32
    %cond3A_19 = arith.cmpi ne, %convert_element_type3A, %cond3A : i32
    scf.if %cond3A_19 {
      %mul3A_171 = arith.constant 80 : i32
      %mul3A_172 = arith.muli %add3A_17, %mul3A_171 : i32
      "tpu.region"() ({
        %run_scoped3A_173 = tpu.sem_alloc : memref<!tpu.dma_semaphore, #tpu.memory_space<semaphore_mem>>
        %dma_start3A_174 = arith.constant 0 : i32
        %dma_start3A_175 = tpu.memref_slice %arg15[%mul3A_172, %dma_start3A_174] : memref<10000x128xf32, #tpu.memory_space<vmem_shared>> -> memref<80x128xf32, #tpu.memory_space<vmem_shared>>
        %dma_start3A_176 = arith.constant 0 : i32
        %dma_start3A_177 = tpu.memref_slice %arg15[%mul3A_172, %dma_start3A_176] : memref<10000x128xf32, #tpu.memory_space<vmem_shared>> -> memref<80x128xf32, #tpu.memory_space<vmem_shared>>
        tpu.enqueue_dma source(%arg8 : memref<80x128xf32, #tpu.memory_space<vmem>>) target(%dma_start3A_177 : memref<80x128xf32, #tpu.memory_space<vmem_shared>>) target_semaphore(%run_scoped3A_173 : memref<!tpu.dma_semaphore, #tpu.memory_space<semaphore_mem>>)
        %dma_wait3A = arith.constant 0 : i32
        %dma_wait3A_178 = tpu.memref_slice %arg15[%mul3A_172, %dma_wait3A] : memref<10000x128xf32, #tpu.memory_space<vmem_shared>> -> memref<80x128xf32, #tpu.memory_space<vmem_shared>>
        %dma_wait3A_179 = arith.constant 0 : i32
        %dma_wait3A_180 = tpu.memref_slice %arg15[%mul3A_172, %dma_wait3A_179] : memref<10000x128xf32, #tpu.memory_space<vmem_shared>> -> memref<80x128xf32, #tpu.memory_space<vmem_shared>>
        tpu.wait_dma2 semaphore(%run_scoped3A_173 : memref<!tpu.dma_semaphore, #tpu.memory_space<semaphore_mem>>) src(%arg8 : memref<80x128xf32, #tpu.memory_space<vmem>>) dst(%dma_wait3A_180 : memref<80x128xf32, #tpu.memory_space<vmem_shared>>)
        tpu.yield
      }) : () -> ()
    } else {
    }
    %add3A_20 = arith.constant 16 : i32
    %add3A_21 = arith.addi %arg1, %add3A_20 : i32
    %lt3A_22 = arith.constant 125 : i32
    %lt3A_23 = arith.cmpi slt, %add3A_21, %lt3A_22 : i32
    %convert_element_type3A_24 = arith.extui %lt3A_23 : i1 to i32
    %cond3A_25 = arith.constant 0 : i32
    %cond3A_26 = arith.cmpi ne, %convert_element_type3A_24, %cond3A_25 : i32
    scf.if %cond3A_26 {
      %mul3A_171 = arith.constant 80 : i32
      %mul3A_172 = arith.muli %add3A_21, %mul3A_171 : i32
      "tpu.region"() ({
        %run_scoped3A_173 = tpu.sem_alloc : memref<!tpu.dma_semaphore, #tpu.memory_space<semaphore_mem>>
        %dma_start3A_174 = arith.constant 0 : i32
        %dma_start3A_175 = tpu.memref_slice %arg15[%mul3A_172, %dma_start3A_174] : memref<10000x128xf32, #tpu.memory_space<vmem_shared>> -> memref<80x128xf32, #tpu.memory_space<vmem_shared>>
        %dma_start3A_176 = arith.constant 0 : i32
        %dma_start3A_177 = tpu.memref_slice %arg15[%mul3A_172, %dma_start3A_176] : memref<10000x128xf32, #tpu.memory_space<vmem_shared>> -> memref<80x128xf32, #tpu.memory_space<vmem_shared>>
        tpu.enqueue_dma source(%arg8 : memref<80x128xf32, #tpu.memory_space<vmem>>) target(%dma_start3A_177 : memref<80x128xf32, #tpu.memory_space<vmem_shared>>) target_semaphore(%run_scoped3A_173 : memref<!tpu.dma_semaphore, #tpu.memory_space<semaphore_mem>>)
        %dma_wait3A = arith.constant 0 : i32
        %dma_wait3A_178 = tpu.memref_slice %arg15[%mul3A_172, %dma_wait3A] : memref<10000x128xf32, #tpu.memory_space<vmem_shared>> -> memref<80x128xf32, #tpu.memory_space<vmem_shared>>
        %dma_wait3A_179 = arith.constant 0 : i32
        %dma_wait3A_180 = tpu.memref_slice %arg15[%mul3A_172, %dma_wait3A_179] : memref<10000x128xf32, #tpu.memory_space<vmem_shared>> -> memref<80x128xf32, #tpu.memory_space<vmem_shared>>
        tpu.wait_dma2 semaphore(%run_scoped3A_173 : memref<!tpu.dma_semaphore, #tpu.memory_space<semaphore_mem>>) src(%arg8 : memref<80x128xf32, #tpu.memory_space<vmem>>) dst(%dma_wait3A_180 : memref<80x128xf32, #tpu.memory_space<vmem_shared>>)
        tpu.yield
      }) : () -> ()
    } else {
    }
    %add3A_27 = arith.constant 32 : i32
    %add3A_28 = arith.addi %arg1, %add3A_27 : i32
    %lt3A_29 = arith.constant 125 : i32
    %lt3A_30 = arith.cmpi slt, %add3A_28, %lt3A_29 : i32
    %convert_element_type3A_31 = arith.extui %lt3A_30 : i1 to i32
    %cond3A_32 = arith.constant 0 : i32
    %cond3A_33 = arith.cmpi ne, %convert_element_type3A_31, %cond3A_32 : i32
    scf.if %cond3A_33 {
      %mul3A_171 = arith.constant 80 : i32
      %mul3A_172 = arith.muli %add3A_28, %mul3A_171 : i32
      "tpu.region"() ({
        %run_scoped3A_173 = tpu.sem_alloc : memref<!tpu.dma_semaphore, #tpu.memory_space<semaphore_mem>>
        %dma_start3A_174 = arith.constant 0 : i32
        %dma_start3A_175 = tpu.memref_slice %arg15[%mul3A_172, %dma_start3A_174] : memref<10000x128xf32, #tpu.memory_space<vmem_shared>> -> memref<80x128xf32, #tpu.memory_space<vmem_shared>>
        %dma_start3A_176 = arith.constant 0 : i32
        %dma_start3A_177 = tpu.memref_slice %arg15[%mul3A_172, %dma_start3A_176] : memref<10000x128xf32, #tpu.memory_space<vmem_shared>> -> memref<80x128xf32, #tpu.memory_space<vmem_shared>>
        tpu.enqueue_dma source(%arg8 : memref<80x128xf32, #tpu.memory_space<vmem>>) target(%dma_start3A_177 : memref<80x128xf32, #tpu.memory_space<vmem_shared>>) target_semaphore(%run_scoped3A_173 : memref<!tpu.dma_semaphore, #tpu.memory_space<semaphore_mem>>)
        %dma_wait3A = arith.constant 0 : i32
        %dma_wait3A_178 = tpu.memref_slice %arg15[%mul3A_172, %dma_wait3A] : memref<10000x128xf32, #tpu.memory_space<vmem_shared>> -> memref<80x128xf32, #tpu.memory_space<vmem_shared>>
        %dma_wait3A_179 = arith.constant 0 : i32
        %dma_wait3A_180 = tpu.memref_slice %arg15[%mul3A_172, %dma_wait3A_179] : memref<10000x128xf32, #tpu.memory_space<vmem_shared>> -> memref<80x128xf32, #tpu.memory_space<vmem_shared>>
        tpu.wait_dma2 semaphore(%run_scoped3A_173 : memref<!tpu.dma_semaphore, #tpu.memory_space<semaphore_mem>>) src(%arg8 : memref<80x128xf32, #tpu.memory_space<vmem>>) dst(%dma_wait3A_180 : memref<80x128xf32, #tpu.memory_space<vmem_shared>>)
        tpu.yield
      }) : () -> ()
    } else {
    }
    %add3A_34 = arith.constant 48 : i32
    %add3A_35 = arith.addi %arg1, %add3A_34 : i32
    %lt3A_36 = arith.constant 125 : i32
    %lt3A_37 = arith.cmpi slt, %add3A_35, %lt3A_36 : i32
    %convert_element_type3A_38 = arith.extui %lt3A_37 : i1 to i32
    %cond3A_39 = arith.constant 0 : i32
    %cond3A_40 = arith.cmpi ne, %convert_element_type3A_38, %cond3A_39 : i32
    scf.if %cond3A_40 {
      %mul3A_171 = arith.constant 80 : i32
      %mul3A_172 = arith.muli %add3A_35, %mul3A_171 : i32
      "tpu.region"() ({
        %run_scoped3A_173 = tpu.sem_alloc : memref<!tpu.dma_semaphore, #tpu.memory_space<semaphore_mem>>
        %dma_start3A_174 = arith.constant 0 : i32
        %dma_start3A_175 = tpu.memref_slice %arg15[%mul3A_172, %dma_start3A_174] : memref<10000x128xf32, #tpu.memory_space<vmem_shared>> -> memref<80x128xf32, #tpu.memory_space<vmem_shared>>
        %dma_start3A_176 = arith.constant 0 : i32
        %dma_start3A_177 = tpu.memref_slice %arg15[%mul3A_172, %dma_start3A_176] : memref<10000x128xf32, #tpu.memory_space<vmem_shared>> -> memref<80x128xf32, #tpu.memory_space<vmem_shared>>
        tpu.enqueue_dma source(%arg8 : memref<80x128xf32, #tpu.memory_space<vmem>>) target(%dma_start3A_177 : memref<80x128xf32, #tpu.memory_space<vmem_shared>>) target_semaphore(%run_scoped3A_173 : memref<!tpu.dma_semaphore, #tpu.memory_space<semaphore_mem>>)
        %dma_wait3A = arith.constant 0 : i32
        %dma_wait3A_178 = tpu.memref_slice %arg15[%mul3A_172, %dma_wait3A] : memref<10000x128xf32, #tpu.memory_space<vmem_shared>> -> memref<80x128xf32, #tpu.memory_space<vmem_shared>>
        %dma_wait3A_179 = arith.constant 0 : i32
        %dma_wait3A_180 = tpu.memref_slice %arg15[%mul3A_172, %dma_wait3A_179] : memref<10000x128xf32, #tpu.memory_space<vmem_shared>> -> memref<80x128xf32, #tpu.memory_space<vmem_shared>>
        tpu.wait_dma2 semaphore(%run_scoped3A_173 : memref<!tpu.dma_semaphore, #tpu.memory_space<semaphore_mem>>) src(%arg8 : memref<80x128xf32, #tpu.memory_space<vmem>>) dst(%dma_wait3A_180 : memref<80x128xf32, #tpu.memory_space<vmem_shared>>)
        tpu.yield
      }) : () -> ()
    } else {
    }
    %add3A_41 = arith.constant 64 : i32
    %add3A_42 = arith.addi %arg1, %add3A_41 : i32
    %lt3A_43 = arith.constant 125 : i32
    %lt3A_44 = arith.cmpi slt, %add3A_42, %lt3A_43 : i32
    %convert_element_type3A_45 = arith.extui %lt3A_44 : i1 to i32
    %cond3A_46 = arith.constant 0 : i32
    %cond3A_47 = arith.cmpi ne, %convert_element_type3A_45, %cond3A_46 : i32
    scf.if %cond3A_47 {
      %mul3A_171 = arith.constant 80 : i32
      %mul3A_172 = arith.muli %add3A_42, %mul3A_171 : i32
      "tpu.region"() ({
        %run_scoped3A_173 = tpu.sem_alloc : memref<!tpu.dma_semaphore, #tpu.memory_space<semaphore_mem>>
        %dma_start3A_174 = arith.constant 0 : i32
        %dma_start3A_175 = tpu.memref_slice %arg15[%mul3A_172, %dma_start3A_174] : memref<10000x128xf32, #tpu.memory_space<vmem_shared>> -> memref<80x128xf32, #tpu.memory_space<vmem_shared>>
        %dma_start3A_176 = arith.constant 0 : i32
        %dma_start3A_177 = tpu.memref_slice %arg15[%mul3A_172, %dma_start3A_176] : memref<10000x128xf32, #tpu.memory_space<vmem_shared>> -> memref<80x128xf32, #tpu.memory_space<vmem_shared>>
        tpu.enqueue_dma source(%arg8 : memref<80x128xf32, #tpu.memory_space<vmem>>) target(%dma_start3A_177 : memref<80x128xf32, #tpu.memory_space<vmem_shared>>) target_semaphore(%run_scoped3A_173 : memref<!tpu.dma_semaphore, #tpu.memory_space<semaphore_mem>>)
        %dma_wait3A = arith.constant 0 : i32
        %dma_wait3A_178 = tpu.memref_slice %arg15[%mul3A_172, %dma_wait3A] : memref<10000x128xf32, #tpu.memory_space<vmem_shared>> -> memref<80x128xf32, #tpu.memory_space<vmem_shared>>
        %dma_wait3A_179 = arith.constant 0 : i32
        %dma_wait3A_180 = tpu.memref_slice %arg15[%mul3A_172, %dma_wait3A_179] : memref<10000x128xf32, #tpu.memory_space<vmem_shared>> -> memref<80x128xf32, #tpu.memory_space<vmem_shared>>
        tpu.wait_dma2 semaphore(%run_scoped3A_173 : memref<!tpu.dma_semaphore, #tpu.memory_space<semaphore_mem>>) src(%arg8 : memref<80x128xf32, #tpu.memory_space<vmem>>) dst(%dma_wait3A_180 : memref<80x128xf32, #tpu.memory_space<vmem_shared>>)
        tpu.yield
      }) : () -> ()
    } else {
    }
    %add3A_48 = arith.constant 80 : i32
    %add3A_49 = arith.addi %arg1, %add3A_48 : i32
    %lt3A_50 = arith.constant 125 : i32
    %lt3A_51 = arith.cmpi slt, %add3A_49, %lt3A_50 : i32
    %convert_element_type3A_52 = arith.extui %lt3A_51 : i1 to i32
    %cond3A_53 = arith.constant 0 : i32
    %cond3A_54 = arith.cmpi ne, %convert_element_type3A_52, %cond3A_53 : i32
    scf.if %cond3A_54 {
      %mul3A_171 = arith.constant 80 : i32
      %mul3A_172 = arith.muli %add3A_49, %mul3A_171 : i32
      "tpu.region"() ({
        %run_scoped3A_173 = tpu.sem_alloc : memref<!tpu.dma_semaphore, #tpu.memory_space<semaphore_mem>>
        %dma_start3A_174 = arith.constant 0 : i32
        %dma_start3A_175 = tpu.memref_slice %arg15[%mul3A_172, %dma_start3A_174] : memref<10000x128xf32, #tpu.memory_space<vmem_shared>> -> memref<80x128xf32, #tpu.memory_space<vmem_shared>>
        %dma_start3A_176 = arith.constant 0 : i32
        %dma_start3A_177 = tpu.memref_slice %arg15[%mul3A_172, %dma_start3A_176] : memref<10000x128xf32, #tpu.memory_space<vmem_shared>> -> memref<80x128xf32, #tpu.memory_space<vmem_shared>>
        tpu.enqueue_dma source(%arg8 : memref<80x128xf32, #tpu.memory_space<vmem>>) target(%dma_start3A_177 : memref<80x128xf32, #tpu.memory_space<vmem_shared>>) target_semaphore(%run_scoped3A_173 : memref<!tpu.dma_semaphore, #tpu.memory_space<semaphore_mem>>)
        %dma_wait3A = arith.constant 0 : i32
        %dma_wait3A_178 = tpu.memref_slice %arg15[%mul3A_172, %dma_wait3A] : memref<10000x128xf32, #tpu.memory_space<vmem_shared>> -> memref<80x128xf32, #tpu.memory_space<vmem_shared>>
        %dma_wait3A_179 = arith.constant 0 : i32
        %dma_wait3A_180 = tpu.memref_slice %arg15[%mul3A_172, %dma_wait3A_179] : memref<10000x128xf32, #tpu.memory_space<vmem_shared>> -> memref<80x128xf32, #tpu.memory_space<vmem_shared>>
        tpu.wait_dma2 semaphore(%run_scoped3A_173 : memref<!tpu.dma_semaphore, #tpu.memory_space<semaphore_mem>>) src(%arg8 : memref<80x128xf32, #tpu.memory_space<vmem>>) dst(%dma_wait3A_180 : memref<80x128xf32, #tpu.memory_space<vmem_shared>>)
        tpu.yield
      }) : () -> ()
    } else {
    }
    %add3A_55 = arith.constant 96 : i32
    %add3A_56 = arith.addi %arg1, %add3A_55 : i32
    %lt3A_57 = arith.constant 125 : i32
    %lt3A_58 = arith.cmpi slt, %add3A_56, %lt3A_57 : i32
    %convert_element_type3A_59 = arith.extui %lt3A_58 : i1 to i32
    %cond3A_60 = arith.constant 0 : i32
    %cond3A_61 = arith.cmpi ne, %convert_element_type3A_59, %cond3A_60 : i32
    scf.if %cond3A_61 {
      %mul3A_171 = arith.constant 80 : i32
      %mul3A_172 = arith.muli %add3A_56, %mul3A_171 : i32
      "tpu.region"() ({
        %run_scoped3A_173 = tpu.sem_alloc : memref<!tpu.dma_semaphore, #tpu.memory_space<semaphore_mem>>
        %dma_start3A_174 = arith.constant 0 : i32
        %dma_start3A_175 = tpu.memref_slice %arg15[%mul3A_172, %dma_start3A_174] : memref<10000x128xf32, #tpu.memory_space<vmem_shared>> -> memref<80x128xf32, #tpu.memory_space<vmem_shared>>
        %dma_start3A_176 = arith.constant 0 : i32
        %dma_start3A_177 = tpu.memref_slice %arg15[%mul3A_172, %dma_start3A_176] : memref<10000x128xf32, #tpu.memory_space<vmem_shared>> -> memref<80x128xf32, #tpu.memory_space<vmem_shared>>
        tpu.enqueue_dma source(%arg8 : memref<80x128xf32, #tpu.memory_space<vmem>>) target(%dma_start3A_177 : memref<80x128xf32, #tpu.memory_space<vmem_shared>>) target_semaphore(%run_scoped3A_173 : memref<!tpu.dma_semaphore, #tpu.memory_space<semaphore_mem>>)
        %dma_wait3A = arith.constant 0 : i32
        %dma_wait3A_178 = tpu.memref_slice %arg15[%mul3A_172, %dma_wait3A] : memref<10000x128xf32, #tpu.memory_space<vmem_shared>> -> memref<80x128xf32, #tpu.memory_space<vmem_shared>>
        %dma_wait3A_179 = arith.constant 0 : i32
        %dma_wait3A_180 = tpu.memref_slice %arg15[%mul3A_172, %dma_wait3A_179] : memref<10000x128xf32, #tpu.memory_space<vmem_shared>> -> memref<80x128xf32, #tpu.memory_space<vmem_shared>>
        tpu.wait_dma2 semaphore(%run_scoped3A_173 : memref<!tpu.dma_semaphore, #tpu.memory_space<semaphore_mem>>) src(%arg8 : memref<80x128xf32, #tpu.memory_space<vmem>>) dst(%dma_wait3A_180 : memref<80x128xf32, #tpu.memory_space<vmem_shared>>)
        tpu.yield
      }) : () -> ()
    } else {
    }
    %add3A_62 = arith.constant 112 : i32
    %add3A_63 = arith.addi %arg1, %add3A_62 : i32
    %lt3A_64 = arith.constant 125 : i32
    %lt3A_65 = arith.cmpi slt, %add3A_63, %lt3A_64 : i32
    %convert_element_type3A_66 = arith.extui %lt3A_65 : i1 to i32
    %cond3A_67 = arith.constant 0 : i32
    %cond3A_68 = arith.cmpi ne, %convert_element_type3A_66, %cond3A_67 : i32
    scf.if %cond3A_68 {
      %mul3A_171 = arith.constant 80 : i32
      %mul3A_172 = arith.muli %add3A_63, %mul3A_171 : i32
      "tpu.region"() ({
        %run_scoped3A_173 = tpu.sem_alloc : memref<!tpu.dma_semaphore, #tpu.memory_space<semaphore_mem>>
        %dma_start3A_174 = arith.constant 0 : i32
        %dma_start3A_175 = tpu.memref_slice %arg15[%mul3A_172, %dma_start3A_174] : memref<10000x128xf32, #tpu.memory_space<vmem_shared>> -> memref<80x128xf32, #tpu.memory_space<vmem_shared>>
        %dma_start3A_176 = arith.constant 0 : i32
        %dma_start3A_177 = tpu.memref_slice %arg15[%mul3A_172, %dma_start3A_176] : memref<10000x128xf32, #tpu.memory_space<vmem_shared>> -> memref<80x128xf32, #tpu.memory_space<vmem_shared>>
        tpu.enqueue_dma source(%arg8 : memref<80x128xf32, #tpu.memory_space<vmem>>) target(%dma_start3A_177 : memref<80x128xf32, #tpu.memory_space<vmem_shared>>) target_semaphore(%run_scoped3A_173 : memref<!tpu.dma_semaphore, #tpu.memory_space<semaphore_mem>>)
        %dma_wait3A = arith.constant 0 : i32
        %dma_wait3A_178 = tpu.memref_slice %arg15[%mul3A_172, %dma_wait3A] : memref<10000x128xf32, #tpu.memory_space<vmem_shared>> -> memref<80x128xf32, #tpu.memory_space<vmem_shared>>
        %dma_wait3A_179 = arith.constant 0 : i32
        %dma_wait3A_180 = tpu.memref_slice %arg15[%mul3A_172, %dma_wait3A_179] : memref<10000x128xf32, #tpu.memory_space<vmem_shared>> -> memref<80x128xf32, #tpu.memory_space<vmem_shared>>
        tpu.wait_dma2 semaphore(%run_scoped3A_173 : memref<!tpu.dma_semaphore, #tpu.memory_space<semaphore_mem>>) src(%arg8 : memref<80x128xf32, #tpu.memory_space<vmem>>) dst(%dma_wait3A_180 : memref<80x128xf32, #tpu.memory_space<vmem_shared>>)
        tpu.yield
      }) : () -> ()
    } else {
    }
    %lt3A_69 = arith.constant 10 : i32
    %lt3A_70 = arith.cmpi slt, %arg1, %lt3A_69 : i32
    %convert_element_type3A_71 = arith.extui %lt3A_70 : i1 to i32
    %cond3A_72 = arith.constant 0 : i32
    %cond3A_73 = arith.cmpi ne, %convert_element_type3A_71, %cond3A_72 : i32
    scf.if %cond3A_73 {
      %mul3A_171 = arith.constant 1000 : i32
      %mul3A_172 = arith.muli %arg1, %mul3A_171 : i32
      "tpu.region"() ({
        %run_scoped3A_173 = tpu.sem_alloc : memref<!tpu.dma_semaphore, #tpu.memory_space<semaphore_mem>>
        %dma_start3A_174 = tpu.memref_slice %arg16[%mul3A_172] : memref<10000xf32, #tpu.memory_space<vmem_shared>> -> memref<1000xf32, #tpu.memory_space<vmem_shared>>
        %dma_start3A_175 = tpu.memref_slice %arg16[%mul3A_172] : memref<10000xf32, #tpu.memory_space<vmem_shared>> -> memref<1000xf32, #tpu.memory_space<vmem_shared>>
        tpu.enqueue_dma source(%arg13 : memref<1000xf32, #tpu.memory_space<vmem>>) target(%dma_start3A_175 : memref<1000xf32, #tpu.memory_space<vmem_shared>>) target_semaphore(%run_scoped3A_173 : memref<!tpu.dma_semaphore, #tpu.memory_space<semaphore_mem>>)
        %dma_wait3A = tpu.memref_slice %arg16[%mul3A_172] : memref<10000xf32, #tpu.memory_space<vmem_shared>> -> memref<1000xf32, #tpu.memory_space<vmem_shared>>
        %dma_wait3A_176 = tpu.memref_slice %arg16[%mul3A_172] : memref<10000xf32, #tpu.memory_space<vmem_shared>> -> memref<1000xf32, #tpu.memory_space<vmem_shared>>
        tpu.wait_dma2 semaphore(%run_scoped3A_173 : memref<!tpu.dma_semaphore, #tpu.memory_space<semaphore_mem>>) src(%arg13 : memref<1000xf32, #tpu.memory_space<vmem>>) dst(%dma_wait3A_176 : memref<1000xf32, #tpu.memory_space<vmem_shared>>)
        tpu.yield
      }) : () -> ()
    } else {
    }
    %barrier3A = arith.constant 0 : index
    tpu.barrier barrier_id(%barrier3A)
    %run_scoped3A = arith.constant 0 : i32
    "tpu.region"() ({
      %run_scoped3A_171 = tpu.sem_alloc : memref<!tpu.dma_semaphore, #tpu.memory_space<semaphore_mem>>
      %dma_start3A_172 = arith.constant 0 : i32
      %dma_start3A_173 = arith.constant 0 : i32
      %dma_start3A_174 = tpu.memref_slice %arg3[%add3A, %run_scoped3A, %dma_start3A_172, %dma_start3A_173] : memref<32x125x2x80xi32, #tpu.memory_space<hbm>> -> memref<1x1x2x80xi32, #tpu.memory_space<hbm>>
      %dma_start3A_175 = tpu.memref_squeeze %dma_start3A_174 : memref<1x1x2x80xi32, #tpu.memory_space<hbm>> -> memref<2x80xi32, #tpu.memory_space<hbm>>
      %dma_start3A_176 = arith.constant 0 : i32
      %dma_start3A_177 = arith.constant 0 : i32
      %dma_start3A_178 = tpu.memref_slice %arg3[%add3A, %run_scoped3A, %dma_start3A_176, %dma_start3A_177] : memref<32x125x2x80xi32, #tpu.memory_space<hbm>> -> memref<1x1x2x80xi32, #tpu.memory_space<hbm>>
      %dma_start3A_179 = tpu.memref_squeeze %dma_start3A_178 : memref<1x1x2x80xi32, #tpu.memory_space<hbm>> -> memref<2x80xi32, #tpu.memory_space<hbm>>
      tpu.enqueue_dma source(%dma_start3A_179 : memref<2x80xi32, #tpu.memory_space<hbm>>) target(%arg6 : memref<2x80xi32, #tpu.memory_space<vmem>>) target_semaphore(%run_scoped3A_171 : memref<!tpu.dma_semaphore, #tpu.memory_space<semaphore_mem>>)
      %dma_wait3A = arith.constant 0 : i32
      %dma_wait3A_180 = arith.constant 0 : i32
      %dma_wait3A_181 = tpu.memref_slice %arg3[%add3A, %run_scoped3A, %dma_wait3A, %dma_wait3A_180] : memref<32x125x2x80xi32, #tpu.memory_space<hbm>> -> memref<1x1x2x80xi32, #tpu.memory_space<hbm>>
      %dma_wait3A_182 = tpu.memref_squeeze %dma_wait3A_181 : memref<1x1x2x80xi32, #tpu.memory_space<hbm>> -> memref<2x80xi32, #tpu.memory_space<hbm>>
      %dma_wait3A_183 = arith.constant 0 : i32
      %dma_wait3A_184 = arith.constant 0 : i32
      %dma_wait3A_185 = tpu.memref_slice %arg3[%add3A, %run_scoped3A, %dma_wait3A_183, %dma_wait3A_184] : memref<32x125x2x80xi32, #tpu.memory_space<hbm>> -> memref<1x1x2x80xi32, #tpu.memory_space<hbm>>
      %dma_wait3A_186 = tpu.memref_squeeze %dma_wait3A_185 : memref<1x1x2x80xi32, #tpu.memory_space<hbm>> -> memref<2x80xi32, #tpu.memory_space<hbm>>
      tpu.wait_dma2 semaphore(%run_scoped3A_171 : memref<!tpu.dma_semaphore, #tpu.memory_space<semaphore_mem>>) src(%dma_wait3A_186 : memref<2x80xi32, #tpu.memory_space<hbm>>) dst(%arg6 : memref<2x80xi32, #tpu.memory_space<vmem>>)
      tpu.yield
    }) : () -> ()
    %run_scoped3A_74 = arith.constant 1 : i32
    "tpu.region"() ({
      %run_scoped3A_171 = tpu.sem_alloc : memref<!tpu.dma_semaphore, #tpu.memory_space<semaphore_mem>>
      %dma_start3A_172 = arith.constant 0 : i32
      %dma_start3A_173 = arith.constant 0 : i32
      %dma_start3A_174 = tpu.memref_slice %arg3[%add3A, %run_scoped3A_74, %dma_start3A_172, %dma_start3A_173] : memref<32x125x2x80xi32, #tpu.memory_space<hbm>> -> memref<1x1x2x80xi32, #tpu.memory_space<hbm>>
      %dma_start3A_175 = tpu.memref_squeeze %dma_start3A_174 : memref<1x1x2x80xi32, #tpu.memory_space<hbm>> -> memref<2x80xi32, #tpu.memory_space<hbm>>
      %dma_start3A_176 = arith.constant 0 : i32
      %dma_start3A_177 = arith.constant 0 : i32
      %dma_start3A_178 = tpu.memref_slice %arg3[%add3A, %run_scoped3A_74, %dma_start3A_176, %dma_start3A_177] : memref<32x125x2x80xi32, #tpu.memory_space<hbm>> -> memref<1x1x2x80xi32, #tpu.memory_space<hbm>>
      %dma_start3A_179 = tpu.memref_squeeze %dma_start3A_178 : memref<1x1x2x80xi32, #tpu.memory_space<hbm>> -> memref<2x80xi32, #tpu.memory_space<hbm>>
      tpu.enqueue_dma source(%dma_start3A_179 : memref<2x80xi32, #tpu.memory_space<hbm>>) target(%arg7 : memref<2x80xi32, #tpu.memory_space<vmem>>) target_semaphore(%run_scoped3A_171 : memref<!tpu.dma_semaphore, #tpu.memory_space<semaphore_mem>>)
      %dma_wait3A = arith.constant 0 : i32
      %dma_wait3A_180 = arith.constant 0 : i32
      %dma_wait3A_181 = tpu.memref_slice %arg3[%add3A, %run_scoped3A_74, %dma_wait3A, %dma_wait3A_180] : memref<32x125x2x80xi32, #tpu.memory_space<hbm>> -> memref<1x1x2x80xi32, #tpu.memory_space<hbm>>
      %dma_wait3A_182 = tpu.memref_squeeze %dma_wait3A_181 : memref<1x1x2x80xi32, #tpu.memory_space<hbm>> -> memref<2x80xi32, #tpu.memory_space<hbm>>
      %dma_wait3A_183 = arith.constant 0 : i32
      %dma_wait3A_184 = arith.constant 0 : i32
      %dma_wait3A_185 = tpu.memref_slice %arg3[%add3A, %run_scoped3A_74, %dma_wait3A_183, %dma_wait3A_184] : memref<32x125x2x80xi32, #tpu.memory_space<hbm>> -> memref<1x1x2x80xi32, #tpu.memory_space<hbm>>
      %dma_wait3A_186 = tpu.memref_squeeze %dma_wait3A_185 : memref<1x1x2x80xi32, #tpu.memory_space<hbm>> -> memref<2x80xi32, #tpu.memory_space<hbm>>
      tpu.wait_dma2 semaphore(%run_scoped3A_171 : memref<!tpu.dma_semaphore, #tpu.memory_space<semaphore_mem>>) src(%dma_wait3A_186 : memref<2x80xi32, #tpu.memory_space<hbm>>) dst(%arg7 : memref<2x80xi32, #tpu.memory_space<vmem>>)
      tpu.yield
    }) : () -> ()
    %dma_start3A = arith.constant 0 : i32
    %dma_start3A_75 = arith.constant 0 : i32
    %dma_start3A_76 = tpu.memref_slice %arg6[%dma_start3A, %dma_start3A_75] : memref<2x80xi32, #tpu.memory_space<vmem>> -> memref<1x80xi32, #tpu.memory_space<vmem>>
    %dma_start3A_77 = tpu.memref_squeeze %dma_start3A_76 : memref<1x80xi32, #tpu.memory_space<vmem>> -> memref<80xi32, #tpu.memory_space<vmem>>
    %dma_start3A_78 = arith.constant 0 : i32
    %dma_start3A_79 = arith.constant 0 : i32
    %dma_start3A_80 = tpu.memref_slice %arg2[%dma_start3A_78, %dma_start3A_79] : memref<10000x128xf32, #tpu.memory_space<hbm>> -> memref<10000x128xf32, #tpu.memory_space<hbm>>
    tpu.enqueue_indirect_dma source(%dma_start3A_80 : memref<10000x128xf32, #tpu.memory_space<hbm>>) target(%arg8 : memref<80x128xf32, #tpu.memory_space<vmem>>) offsets(%dma_start3A_77 : memref<80xi32, #tpu.memory_space<vmem>>) semaphore(%arg19 : memref<!tpu.dma_semaphore, #tpu.memory_space<semaphore_mem>>)
    %dma_start3A_81 = arith.constant 1 : i32
    %dma_start3A_82 = arith.constant 0 : i32
    %dma_start3A_83 = tpu.memref_slice %arg6[%dma_start3A_81, %dma_start3A_82] : memref<2x80xi32, #tpu.memory_space<vmem>> -> memref<1x80xi32, #tpu.memory_space<vmem>>
    %dma_start3A_84 = tpu.memref_squeeze %dma_start3A_83 : memref<1x80xi32, #tpu.memory_space<vmem>> -> memref<80xi32, #tpu.memory_space<vmem>>
    %dma_start3A_85 = arith.constant 0 : i32
    %dma_start3A_86 = arith.constant 0 : i32
    %dma_start3A_87 = tpu.memref_slice %arg2[%dma_start3A_85, %dma_start3A_86] : memref<10000x128xf32, #tpu.memory_space<hbm>> -> memref<10000x128xf32, #tpu.memory_space<hbm>>
    tpu.enqueue_indirect_dma source(%dma_start3A_87 : memref<10000x128xf32, #tpu.memory_space<hbm>>) target(%arg10 : memref<80x128xf32, #tpu.memory_space<vmem>>) offsets(%dma_start3A_84 : memref<80xi32, #tpu.memory_space<vmem>>) semaphore(%arg21 : memref<!tpu.dma_semaphore, #tpu.memory_space<semaphore_mem>>)
    %dma_start3A_88 = arith.constant 0 : i32
    %dma_start3A_89 = arith.constant 0 : i32
    %dma_start3A_90 = tpu.memref_slice %arg7[%dma_start3A_88, %dma_start3A_89] : memref<2x80xi32, #tpu.memory_space<vmem>> -> memref<1x80xi32, #tpu.memory_space<vmem>>
    %dma_start3A_91 = tpu.memref_squeeze %dma_start3A_90 : memref<1x80xi32, #tpu.memory_space<vmem>> -> memref<80xi32, #tpu.memory_space<vmem>>
    %dma_start3A_92 = arith.constant 0 : i32
    %dma_start3A_93 = arith.constant 0 : i32
    %dma_start3A_94 = tpu.memref_slice %arg2[%dma_start3A_92, %dma_start3A_93] : memref<10000x128xf32, #tpu.memory_space<hbm>> -> memref<10000x128xf32, #tpu.memory_space<hbm>>
    tpu.enqueue_indirect_dma source(%dma_start3A_94 : memref<10000x128xf32, #tpu.memory_space<hbm>>) target(%arg9 : memref<80x128xf32, #tpu.memory_space<vmem>>) offsets(%dma_start3A_91 : memref<80xi32, #tpu.memory_space<vmem>>) semaphore(%arg20 : memref<!tpu.dma_semaphore, #tpu.memory_space<semaphore_mem>>)
    %dma_start3A_95 = arith.constant 1 : i32
    %dma_start3A_96 = arith.constant 0 : i32
    %dma_start3A_97 = tpu.memref_slice %arg7[%dma_start3A_95, %dma_start3A_96] : memref<2x80xi32, #tpu.memory_space<vmem>> -> memref<1x80xi32, #tpu.memory_space<vmem>>
    %dma_start3A_98 = tpu.memref_squeeze %dma_start3A_97 : memref<1x80xi32, #tpu.memory_space<vmem>> -> memref<80xi32, #tpu.memory_space<vmem>>
    %dma_start3A_99 = arith.constant 0 : i32
    %dma_start3A_100 = arith.constant 0 : i32
    %dma_start3A_101 = tpu.memref_slice %arg2[%dma_start3A_99, %dma_start3A_100] : memref<10000x128xf32, #tpu.memory_space<hbm>> -> memref<10000x128xf32, #tpu.memory_space<hbm>>
    tpu.enqueue_indirect_dma source(%dma_start3A_101 : memref<10000x128xf32, #tpu.memory_space<hbm>>) target(%arg11 : memref<80x128xf32, #tpu.memory_space<vmem>>) offsets(%dma_start3A_98 : memref<80xi32, #tpu.memory_space<vmem>>) semaphore(%arg22 : memref<!tpu.dma_semaphore, #tpu.memory_space<semaphore_mem>>)
    %scan3A_102 = arith.constant 0 : i32
    %scan3A_103 = arith.constant 0 : i32
    %scan3A_104 = arith.constant 63 : i32
    %scan3A_105 = arith.addi %scan3A_103, %scan3A_104 : i32
    %scan3A_106 = arith.constant 1 : i32
    %scan3A_107 = scf.for %scan3A_171 = %scan3A_103 to %scan3A_105 step %scan3A_106 iter_args(%scan3A_172 = %scan3A_102) -> (i32)  : i32 {
      %mul3A_173 = arith.constant 2 : i32
      %mul3A_174 = arith.muli %mul3A_173, %scan3A_171 : i32
      %lt3A_175 = arith.constant 125 : i32
      %lt3A_176 = arith.cmpi slt, %mul3A_174, %lt3A_175 : i32
      %convert_element_type3A_177 = arith.extui %lt3A_176 : i1 to i32
      %cond3A_178 = arith.constant 0 : i32
      %cond3A_179 = arith.cmpi ne, %convert_element_type3A_177, %cond3A_178 : i32
      scf.if %cond3A_179 {
        %dma_wait3A = arith.constant 0 : i32
        %dma_wait3A_188 = arith.constant 0 : i32
        %dma_wait3A_189 = tpu.memref_slice %arg6[%dma_wait3A, %dma_wait3A_188] : memref<2x80xi32, #tpu.memory_space<vmem>> -> memref<1x80xi32, #tpu.memory_space<vmem>>
        %dma_wait3A_190 = tpu.memref_squeeze %dma_wait3A_189 : memref<1x80xi32, #tpu.memory_space<vmem>> -> memref<80xi32, #tpu.memory_space<vmem>>
        %dma_wait3A_191 = arith.constant 0 : i32
        %dma_wait3A_192 = arith.constant 0 : i32
        %dma_wait3A_193 = tpu.memref_slice %arg2[%dma_wait3A_191, %dma_wait3A_192] : memref<10000x128xf32, #tpu.memory_space<hbm>> -> memref<10000x128xf32, #tpu.memory_space<hbm>>
        tpu.wait_indirect_dma semaphore(%arg19 : memref<!tpu.dma_semaphore, #tpu.memory_space<semaphore_mem>>) src(%dma_wait3A_193 : memref<10000x128xf32, #tpu.memory_space<hbm>>) dst(%arg8 : memref<80x128xf32, #tpu.memory_space<vmem>>)
        %dma_wait3A_194 = arith.constant 1 : i32
        %dma_wait3A_195 = arith.constant 0 : i32
        %dma_wait3A_196 = tpu.memref_slice %arg6[%dma_wait3A_194, %dma_wait3A_195] : memref<2x80xi32, #tpu.memory_space<vmem>> -> memref<1x80xi32, #tpu.memory_space<vmem>>
        %dma_wait3A_197 = tpu.memref_squeeze %dma_wait3A_196 : memref<1x80xi32, #tpu.memory_space<vmem>> -> memref<80xi32, #tpu.memory_space<vmem>>
        %dma_wait3A_198 = arith.constant 0 : i32
        %dma_wait3A_199 = arith.constant 0 : i32
        %dma_wait3A_200 = tpu.memref_slice %arg2[%dma_wait3A_198, %dma_wait3A_199] : memref<10000x128xf32, #tpu.memory_space<hbm>> -> memref<10000x128xf32, #tpu.memory_space<hbm>>
        tpu.wait_indirect_dma semaphore(%arg21 : memref<!tpu.dma_semaphore, #tpu.memory_space<semaphore_mem>>) src(%dma_wait3A_200 : memref<10000x128xf32, #tpu.memory_space<hbm>>) dst(%arg10 : memref<80x128xf32, #tpu.memory_space<vmem>>)
        %get3A = arith.constant 1 : i32
        %get3A_201 = arith.index_cast %get3A : i32 to index
        %get3A_202 = arith.constant 0 : index
        %get3A_203 = tpu.vector_load %arg6[%get3A_201, %get3A_202] {strides = array<i32>} : memref<2x80xi32, #tpu.memory_space<vmem>>, vector<16xi32>,
        %swap3A_204 = arith.constant 0 : index
        %swap3A_205 = tpu.vector_load %arg14[%swap3A_204] {strides = array<i32>} : memref<80xi32, #tpu.memory_space<vmem>>, vector<16xi32>,
        tpu.vector_store %arg14[%swap3A_204], %get3A_203 {strides = array<i32>} : memref<80xi32, #tpu.memory_space<vmem>>, vector<16xi32>,
        %get3A_206 = arith.constant 1 : i32
        %get3A_207 = arith.index_cast %get3A_206 : i32 to index
        %get3A_208 = arith.constant 16 : index
        %get3A_209 = tpu.vector_load %arg6[%get3A_207, %get3A_208] {strides = array<i32>} : memref<2x80xi32, #tpu.memory_space<vmem>>, vector<16xi32>,
        %swap3A_210 = arith.constant 16 : index
        %swap3A_211 = tpu.vector_load %arg14[%swap3A_210] {strides = array<i32>} : memref<80xi32, #tpu.memory_space<vmem>>, vector<16xi32>,
        tpu.vector_store %arg14[%swap3A_210], %get3A_209 {strides = array<i32>} : memref<80xi32, #tpu.memory_space<vmem>>, vector<16xi32>,
        %get3A_212 = arith.constant 1 : i32
        %get3A_213 = arith.index_cast %get3A_212 : i32 to index
        %get3A_214 = arith.constant 32 : index
        %get3A_215 = tpu.vector_load %arg6[%get3A_213, %get3A_214] {strides = array<i32>} : memref<2x80xi32, #tpu.memory_space<vmem>>, vector<16xi32>,
        %swap3A_216 = arith.constant 32 : index
        %swap3A_217 = tpu.vector_load %arg14[%swap3A_216] {strides = array<i32>} : memref<80xi32, #tpu.memory_space<vmem>>, vector<16xi32>,
        tpu.vector_store %arg14[%swap3A_216], %get3A_215 {strides = array<i32>} : memref<80xi32, #tpu.memory_space<vmem>>, vector<16xi32>,
        %get3A_218 = arith.constant 1 : i32
        %get3A_219 = arith.index_cast %get3A_218 : i32 to index
        %get3A_220 = arith.constant 48 : index
        %get3A_221 = tpu.vector_load %arg6[%get3A_219, %get3A_220] {strides = array<i32>} : memref<2x80xi32, #tpu.memory_space<vmem>>, vector<16xi32>,
        %swap3A_222 = arith.constant 48 : index
        %swap3A_223 = tpu.vector_load %arg14[%swap3A_222] {strides = array<i32>} : memref<80xi32, #tpu.memory_space<vmem>>, vector<16xi32>,
        tpu.vector_store %arg14[%swap3A_222], %get3A_221 {strides = array<i32>} : memref<80xi32, #tpu.memory_space<vmem>>, vector<16xi32>,
        %get3A_224 = arith.constant 1 : i32
        %get3A_225 = arith.index_cast %get3A_224 : i32 to index
        %get3A_226 = arith.constant 64 : index
        %get3A_227 = tpu.vector_load %arg6[%get3A_225, %get3A_226] {strides = array<i32>} : memref<2x80xi32, #tpu.memory_space<vmem>>, vector<16xi32>,
        %swap3A_228 = arith.constant 64 : index
        %swap3A_229 = tpu.vector_load %arg14[%swap3A_228] {strides = array<i32>} : memref<80xi32, #tpu.memory_space<vmem>>, vector<16xi32>,
        tpu.vector_store %arg14[%swap3A_228], %get3A_227 {strides = array<i32>} : memref<80xi32, #tpu.memory_space<vmem>>, vector<16xi32>,
        %add3A_230 = arith.constant 2 : i32
        %add3A_231 = arith.addi %mul3A_174, %add3A_230 : i32
        %lt3A_232 = arith.constant 125 : i32
        %lt3A_233 = arith.cmpi slt, %add3A_231, %lt3A_232 : i32
        %convert_element_type3A_234 = arith.extui %lt3A_233 : i1 to i32
        %cond3A_235 = arith.constant 0 : i32
        %cond3A_236 = arith.cmpi ne, %convert_element_type3A_234, %cond3A_235 : i32
        scf.if %cond3A_236 {
          %add3A_304 = arith.constant 2 : i32
          %add3A_305 = arith.addi %mul3A_174, %add3A_304 : i32
          %dma_start3A_306 = arith.constant 0 : i32
          %dma_start3A_307 = arith.constant 0 : i32
          %dma_start3A_308 = tpu.memref_slice %arg3[%add3A, %add3A_305, %dma_start3A_306, %dma_start3A_307] : memref<32x125x2x80xi32, #tpu.memory_space<hbm>> -> memref<1x1x2x80xi32, #tpu.memory_space<hbm>>
          %dma_start3A_309 = tpu.memref_squeeze %dma_start3A_308 : memref<1x1x2x80xi32, #tpu.memory_space<hbm>> -> memref<2x80xi32, #tpu.memory_space<hbm>>
          %dma_start3A_310 = arith.constant 0 : i32
          %dma_start3A_311 = arith.constant 0 : i32
          %dma_start3A_312 = tpu.memref_slice %arg3[%add3A, %add3A_305, %dma_start3A_310, %dma_start3A_311] : memref<32x125x2x80xi32, #tpu.memory_space<hbm>> -> memref<1x1x2x80xi32, #tpu.memory_space<hbm>>
          %dma_start3A_313 = tpu.memref_squeeze %dma_start3A_312 : memref<1x1x2x80xi32, #tpu.memory_space<hbm>> -> memref<2x80xi32, #tpu.memory_space<hbm>>
          tpu.enqueue_dma source(%dma_start3A_313 : memref<2x80xi32, #tpu.memory_space<hbm>>) target(%arg6 : memref<2x80xi32, #tpu.memory_space<vmem>>) target_semaphore(%arg17 : memref<!tpu.dma_semaphore, #tpu.memory_space<semaphore_mem>>)
        } else {
        }
        %broadcast_in_dim3A_237 = arith.constant 1.000000e+00 : f32
        %broadcast_in_dim3A_238 = vector.broadcast %broadcast_in_dim3A_237 : f32 to vector<16xf32>
        %get3A_239 = arith.constant 0 : i32
        %get3A_240 = arith.index_cast %get3A_239 : i32 to index
        %get3A_241 = arith.constant 0 : index
        %get3A_242 = tpu.vector_load %arg10[%get3A_240, %get3A_241] {strides = array<i32>} : memref<80x128xf32, #tpu.memory_space<vmem>>, vector<16xf32>,
        %mul3A_243 = arith.constant 0.000000e+00 : f32
        %mul3A_244 = vector.broadcast %mul3A_243 : f32 to vector<16xf32>
        %mul3A_245 = arith.mulf %get3A_242, %mul3A_244 : vector<16xf32>
        %add3A_246 = arith.addf %broadcast_in_dim3A_238, %mul3A_245 : vector<16xf32>
        %swap3A_247 = arith.constant 0 : index
        %swap3A_248 = tpu.vector_load %arg12[%swap3A_247] {strides = array<i32>} : memref<80xf32, #tpu.memory_space<vmem>>, vector<16xf32>,
        tpu.vector_store %arg12[%swap3A_247], %add3A_246 {strides = array<i32>} : memref<80xf32, #tpu.memory_space<vmem>>, vector<16xf32>,
        %broadcast_in_dim3A_249 = arith.constant 1.000000e+00 : f32
        %broadcast_in_dim3A_250 = vector.broadcast %broadcast_in_dim3A_249 : f32 to vector<16xf32>
        %get3A_251 = arith.constant 0 : i32
        %get3A_252 = arith.index_cast %get3A_251 : i32 to index
        %get3A_253 = arith.constant 0 : index
        %get3A_254 = tpu.vector_load %arg10[%get3A_252, %get3A_253] {strides = array<i32>} : memref<80x128xf32, #tpu.memory_space<vmem>>, vector<16xf32>,
        %mul3A_255 = arith.constant 0.000000e+00 : f32
        %mul3A_256 = vector.broadcast %mul3A_255 : f32 to vector<16xf32>
        %mul3A_257 = arith.mulf %get3A_254, %mul3A_256 : vector<16xf32>
        %add3A_258 = arith.addf %broadcast_in_dim3A_250, %mul3A_257 : vector<16xf32>
        %swap3A_259 = arith.constant 16 : index
        %swap3A_260 = tpu.vector_load %arg12[%swap3A_259] {strides = array<i32>} : memref<80xf32, #tpu.memory_space<vmem>>, vector<16xf32>,
        tpu.vector_store %arg12[%swap3A_259], %add3A_258 {strides = array<i32>} : memref<80xf32, #tpu.memory_space<vmem>>, vector<16xf32>,
        %broadcast_in_dim3A_261 = arith.constant 1.000000e+00 : f32
        %broadcast_in_dim3A_262 = vector.broadcast %broadcast_in_dim3A_261 : f32 to vector<16xf32>
        %get3A_263 = arith.constant 0 : i32
        %get3A_264 = arith.index_cast %get3A_263 : i32 to index
        %get3A_265 = arith.constant 0 : index
        %get3A_266 = tpu.vector_load %arg10[%get3A_264, %get3A_265] {strides = array<i32>} : memref<80x128xf32, #tpu.memory_space<vmem>>, vector<16xf32>,
        %mul3A_267 = arith.constant 0.000000e+00 : f32
        %mul3A_268 = vector.broadcast %mul3A_267 : f32 to vector<16xf32>
        %mul3A_269 = arith.mulf %get3A_266, %mul3A_268 : vector<16xf32>
        %add3A_270 = arith.addf %broadcast_in_dim3A_262, %mul3A_269 : vector<16xf32>
        %swap3A_271 = arith.constant 32 : index
        %swap3A_272 = tpu.vector_load %arg12[%swap3A_271] {strides = array<i32>} : memref<80xf32, #tpu.memory_space<vmem>>, vector<16xf32>,
        tpu.vector_store %arg12[%swap3A_271], %add3A_270 {strides = array<i32>} : memref<80xf32, #tpu.memory_space<vmem>>, vector<16xf32>,
        %broadcast_in_dim3A_273 = arith.constant 1.000000e+00 : f32
        %broadcast_in_dim3A_274 = vector.broadcast %broadcast_in_dim3A_273 : f32 to vector<16xf32>
        %get3A_275 = arith.constant 0 : i32
        %get3A_276 = arith.index_cast %get3A_275 : i32 to index
        %get3A_277 = arith.constant 0 : index
        %get3A_278 = tpu.vector_load %arg10[%get3A_276, %get3A_277] {strides = array<i32>} : memref<80x128xf32, #tpu.memory_space<vmem>>, vector<16xf32>,
        %mul3A_279 = arith.constant 0.000000e+00 : f32
        %mul3A_280 = vector.broadcast %mul3A_279 : f32 to vector<16xf32>
        %mul3A_281 = arith.mulf %get3A_278, %mul3A_280 : vector<16xf32>
        %add3A_282 = arith.addf %broadcast_in_dim3A_274, %mul3A_281 : vector<16xf32>
        %swap3A_283 = arith.constant 48 : index
        %swap3A_284 = tpu.vector_load %arg12[%swap3A_283] {strides = array<i32>} : memref<80xf32, #tpu.memory_space<vmem>>, vector<16xf32>,
        tpu.vector_store %arg12[%swap3A_283], %add3A_282 {strides = array<i32>} : memref<80xf32, #tpu.memory_space<vmem>>, vector<16xf32>,
        %broadcast_in_dim3A_285 = arith.constant 1.000000e+00 : f32
        %broadcast_in_dim3A_286 = vector.broadcast %broadcast_in_dim3A_285 : f32 to vector<16xf32>
        %get3A_287 = arith.constant 0 : i32
        %get3A_288 = arith.index_cast %get3A_287 : i32 to index
        %get3A_289 = arith.constant 0 : index
        %get3A_290 = tpu.vector_load %arg10[%get3A_288, %get3A_289] {strides = array<i32>} : memref<80x128xf32, #tpu.memory_space<vmem>>, vector<16xf32>,
        %mul3A_291 = arith.constant 0.000000e+00 : f32
        %mul3A_292 = vector.broadcast %mul3A_291 : f32 to vector<16xf32>
        %mul3A_293 = arith.mulf %get3A_290, %mul3A_292 : vector<16xf32>
        %add3A_294 = arith.addf %broadcast_in_dim3A_286, %mul3A_293 : vector<16xf32>
        %swap3A_295 = arith.constant 64 : index
        %swap3A_296 = tpu.vector_load %arg12[%swap3A_295] {strides = array<i32>} : memref<80xf32, #tpu.memory_space<vmem>>, vector<16xf32>,
        tpu.vector_store %arg12[%swap3A_295], %add3A_294 {strides = array<i32>} : memref<80xf32, #tpu.memory_space<vmem>>, vector<16xf32>,
        "tpu.region"() ({
          %run_scoped3A_304 = tpu.sem_alloc : memref<!tpu.dma_semaphore, #tpu.memory_space<semaphore_mem>>
          %dma_start3A_305 = arith.constant 0 : i32
          %dma_start3A_306 = arith.constant 0 : i32
          %dma_start3A_307 = tpu.memref_slice %arg15[%dma_start3A_305, %dma_start3A_306] : memref<10000x128xf32, #tpu.memory_space<vmem_shared>> -> memref<10000x128xf32, #tpu.memory_space<vmem_shared>>
          tpu.enqueue_indirect_dma source(%arg8 : memref<80x128xf32, #tpu.memory_space<vmem>>) target(%dma_start3A_307 : memref<10000x128xf32, #tpu.memory_space<vmem_shared>>) offsets(%arg14 : memref<80xi32, #tpu.memory_space<vmem>>) semaphore(%run_scoped3A_304 : memref<!tpu.dma_semaphore, #tpu.memory_space<semaphore_mem>>) {add = true}
          %dma_wait3A_308 = arith.constant 0 : i32
          %dma_wait3A_309 = arith.constant 0 : i32
          %dma_wait3A_310 = tpu.memref_slice %arg15[%dma_wait3A_308, %dma_wait3A_309] : memref<10000x128xf32, #tpu.memory_space<vmem_shared>> -> memref<10000x128xf32, #tpu.memory_space<vmem_shared>>
          tpu.wait_indirect_dma semaphore(%run_scoped3A_304 : memref<!tpu.dma_semaphore, #tpu.memory_space<semaphore_mem>>) src(%arg8 : memref<80x128xf32, #tpu.memory_space<vmem>>) dst(%dma_wait3A_310 : memref<10000x128xf32, #tpu.memory_space<vmem_shared>>)
          tpu.yield
        }) : () -> ()
        "tpu.region"() ({
          %run_scoped3A_304 = tpu.sem_alloc : memref<!tpu.dma_semaphore, #tpu.memory_space<semaphore_mem>>
          %dma_start3A_305 = arith.constant 0 : i32
          %dma_start3A_306 = tpu.memref_slice %arg16[%dma_start3A_305] : memref<10000xf32, #tpu.memory_space<vmem_shared>> -> memref<10000xf32, #tpu.memory_space<vmem_shared>>
          tpu.enqueue_indirect_dma source(%arg12 : memref<80xf32, #tpu.memory_space<vmem>>) target(%dma_start3A_306 : memref<10000xf32, #tpu.memory_space<vmem_shared>>) offsets(%arg14 : memref<80xi32, #tpu.memory_space<vmem>>) semaphore(%run_scoped3A_304 : memref<!tpu.dma_semaphore, #tpu.memory_space<semaphore_mem>>) {add = true}
          %dma_wait3A_307 = arith.constant 0 : i32
          %dma_wait3A_308 = tpu.memref_slice %arg16[%dma_wait3A_307] : memref<10000xf32, #tpu.memory_space<vmem_shared>> -> memref<10000xf32, #tpu.memory_space<vmem_shared>>
          tpu.wait_indirect_dma semaphore(%run_scoped3A_304 : memref<!tpu.dma_semaphore, #tpu.memory_space<semaphore_mem>>) src(%arg12 : memref<80xf32, #tpu.memory_space<vmem>>) dst(%dma_wait3A_308 : memref<10000xf32, #tpu.memory_space<vmem_shared>>)
          tpu.yield
        }) : () -> ()
        %add3A_297 = arith.constant 2 : i32
        %add3A_298 = arith.addi %mul3A_174, %add3A_297 : i32
        %lt3A_299 = arith.constant 125 : i32
        %lt3A_300 = arith.cmpi slt, %add3A_298, %lt3A_299 : i32
        %convert_element_type3A_301 = arith.extui %lt3A_300 : i1 to i32
        %cond3A_302 = arith.constant 0 : i32
        %cond3A_303 = arith.cmpi ne, %convert_element_type3A_301, %cond3A_302 : i32
        scf.if %cond3A_303 {
          %add3A_304 = arith.constant 2 : i32
          %add3A_305 = arith.addi %mul3A_174, %add3A_304 : i32
          %dma_wait3A_306 = arith.constant 0 : i32
          %dma_wait3A_307 = arith.constant 0 : i32
          %dma_wait3A_308 = tpu.memref_slice %arg3[%add3A, %add3A_305, %dma_wait3A_306, %dma_wait3A_307] : memref<32x125x2x80xi32, #tpu.memory_space<hbm>> -> memref<1x1x2x80xi32, #tpu.memory_space<hbm>>
          %dma_wait3A_309 = tpu.memref_squeeze %dma_wait3A_308 : memref<1x1x2x80xi32, #tpu.memory_space<hbm>> -> memref<2x80xi32, #tpu.memory_space<hbm>>
          %dma_wait3A_310 = arith.constant 0 : i32
          %dma_wait3A_311 = arith.constant 0 : i32
          %dma_wait3A_312 = tpu.memref_slice %arg3[%add3A, %add3A_305, %dma_wait3A_310, %dma_wait3A_311] : memref<32x125x2x80xi32, #tpu.memory_space<hbm>> -> memref<1x1x2x80xi32, #tpu.memory_space<hbm>>
          %dma_wait3A_313 = tpu.memref_squeeze %dma_wait3A_312 : memref<1x1x2x80xi32, #tpu.memory_space<hbm>> -> memref<2x80xi32, #tpu.memory_space<hbm>>
          tpu.wait_dma2 semaphore(%arg17 : memref<!tpu.dma_semaphore, #tpu.memory_space<semaphore_mem>>) src(%dma_wait3A_313 : memref<2x80xi32, #tpu.memory_space<hbm>>) dst(%arg6 : memref<2x80xi32, #tpu.memory_space<vmem>>)
          %add3A_314 = arith.constant 2 : i32
          %add3A_315 = arith.addi %mul3A_174, %add3A_314 : i32
          %dma_start3A_316 = arith.constant 0 : i32
          %dma_start3A_317 = arith.constant 0 : i32
          %dma_start3A_318 = tpu.memref_slice %arg6[%dma_start3A_316, %dma_start3A_317] : memref<2x80xi32, #tpu.memory_space<vmem>> -> memref<1x80xi32, #tpu.memory_space<vmem>>
          %dma_start3A_319 = tpu.memref_squeeze %dma_start3A_318 : memref<1x80xi32, #tpu.memory_space<vmem>> -> memref<80xi32, #tpu.memory_space<vmem>>
          %dma_start3A_320 = arith.constant 0 : i32
          %dma_start3A_321 = arith.constant 0 : i32
          %dma_start3A_322 = tpu.memref_slice %arg2[%dma_start3A_320, %dma_start3A_321] : memref<10000x128xf32, #tpu.memory_space<hbm>> -> memref<10000x128xf32, #tpu.memory_space<hbm>>
          tpu.enqueue_indirect_dma source(%dma_start3A_322 : memref<10000x128xf32, #tpu.memory_space<hbm>>) target(%arg8 : memref<80x128xf32, #tpu.memory_space<vmem>>) offsets(%dma_start3A_319 : memref<80xi32, #tpu.memory_space<vmem>>) semaphore(%arg19 : memref<!tpu.dma_semaphore, #tpu.memory_space<semaphore_mem>>)
          %dma_start3A_323 = arith.constant 1 : i32
          %dma_start3A_324 = arith.constant 0 : i32
          %dma_start3A_325 = tpu.memref_slice %arg6[%dma_start3A_323, %dma_start3A_324] : memref<2x80xi32, #tpu.memory_space<vmem>> -> memref<1x80xi32, #tpu.memory_space<vmem>>
          %dma_start3A_326 = tpu.memref_squeeze %dma_start3A_325 : memref<1x80xi32, #tpu.memory_space<vmem>> -> memref<80xi32, #tpu.memory_space<vmem>>
          %dma_start3A_327 = arith.constant 0 : i32
          %dma_start3A_328 = arith.constant 0 : i32
          %dma_start3A_329 = tpu.memref_slice %arg2[%dma_start3A_327, %dma_start3A_328] : memref<10000x128xf32, #tpu.memory_space<hbm>> -> memref<10000x128xf32, #tpu.memory_space<hbm>>
          tpu.enqueue_indirect_dma source(%dma_start3A_329 : memref<10000x128xf32, #tpu.memory_space<hbm>>) target(%arg10 : memref<80x128xf32, #tpu.memory_space<vmem>>) offsets(%dma_start3A_326 : memref<80xi32, #tpu.memory_space<vmem>>) semaphore(%arg21 : memref<!tpu.dma_semaphore, #tpu.memory_space<semaphore_mem>>)
        } else {
        }
      } else {
      }
      %add3A_180 = arith.constant 1 : i32
      %add3A_181 = arith.addi %mul3A_174, %add3A_180 : i32
      %lt3A_182 = arith.constant 125 : i32
      %lt3A_183 = arith.cmpi slt, %add3A_181, %lt3A_182 : i32
      %convert_element_type3A_184 = arith.extui %lt3A_183 : i1 to i32
      %cond3A_185 = arith.constant 0 : i32
      %cond3A_186 = arith.cmpi ne, %convert_element_type3A_184, %cond3A_185 : i32
      scf.if %cond3A_186 {
        %dma_wait3A = arith.constant 0 : i32
        %dma_wait3A_188 = arith.constant 0 : i32
        %dma_wait3A_189 = tpu.memref_slice %arg7[%dma_wait3A, %dma_wait3A_188] : memref<2x80xi32, #tpu.memory_space<vmem>> -> memref<1x80xi32, #tpu.memory_space<vmem>>
        %dma_wait3A_190 = tpu.memref_squeeze %dma_wait3A_189 : memref<1x80xi32, #tpu.memory_space<vmem>> -> memref<80xi32, #tpu.memory_space<vmem>>
        %dma_wait3A_191 = arith.constant 0 : i32
        %dma_wait3A_192 = arith.constant 0 : i32
        %dma_wait3A_193 = tpu.memref_slice %arg2[%dma_wait3A_191, %dma_wait3A_192] : memref<10000x128xf32, #tpu.memory_space<hbm>> -> memref<10000x128xf32, #tpu.memory_space<hbm>>
        tpu.wait_indirect_dma semaphore(%arg20 : memref<!tpu.dma_semaphore, #tpu.memory_space<semaphore_mem>>) src(%dma_wait3A_193 : memref<10000x128xf32, #tpu.memory_space<hbm>>) dst(%arg9 : memref<80x128xf32, #tpu.memory_space<vmem>>)
        %dma_wait3A_194 = arith.constant 1 : i32
        %dma_wait3A_195 = arith.constant 0 : i32
        %dma_wait3A_196 = tpu.memref_slice %arg7[%dma_wait3A_194, %dma_wait3A_195] : memref<2x80xi32, #tpu.memory_space<vmem>> -> memref<1x80xi32, #tpu.memory_space<vmem>>
        %dma_wait3A_197 = tpu.memref_squeeze %dma_wait3A_196 : memref<1x80xi32, #tpu.memory_space<vmem>> -> memref<80xi32, #tpu.memory_space<vmem>>
        %dma_wait3A_198 = arith.constant 0 : i32
        %dma_wait3A_199 = arith.constant 0 : i32
        %dma_wait3A_200 = tpu.memref_slice %arg2[%dma_wait3A_198, %dma_wait3A_199] : memref<10000x128xf32, #tpu.memory_space<hbm>> -> memref<10000x128xf32, #tpu.memory_space<hbm>>
        tpu.wait_indirect_dma semaphore(%arg22 : memref<!tpu.dma_semaphore, #tpu.memory_space<semaphore_mem>>) src(%dma_wait3A_200 : memref<10000x128xf32, #tpu.memory_space<hbm>>) dst(%arg11 : memref<80x128xf32, #tpu.memory_space<vmem>>)
        %get3A = arith.constant 1 : i32
        %get3A_201 = arith.index_cast %get3A : i32 to index
        %get3A_202 = arith.constant 0 : index
        %get3A_203 = tpu.vector_load %arg7[%get3A_201, %get3A_202] {strides = array<i32>} : memref<2x80xi32, #tpu.memory_space<vmem>>, vector<16xi32>,
        %swap3A_204 = arith.constant 0 : index
        %swap3A_205 = tpu.vector_load %arg14[%swap3A_204] {strides = array<i32>} : memref<80xi32, #tpu.memory_space<vmem>>, vector<16xi32>,
        tpu.vector_store %arg14[%swap3A_204], %get3A_203 {strides = array<i32>} : memref<80xi32, #tpu.memory_space<vmem>>, vector<16xi32>,
        %get3A_206 = arith.constant 1 : i32
        %get3A_207 = arith.index_cast %get3A_206 : i32 to index
        %get3A_208 = arith.constant 16 : index
        %get3A_209 = tpu.vector_load %arg7[%get3A_207, %get3A_208] {strides = array<i32>} : memref<2x80xi32, #tpu.memory_space<vmem>>, vector<16xi32>,
        %swap3A_210 = arith.constant 16 : index
        %swap3A_211 = tpu.vector_load %arg14[%swap3A_210] {strides = array<i32>} : memref<80xi32, #tpu.memory_space<vmem>>, vector<16xi32>,
        tpu.vector_store %arg14[%swap3A_210], %get3A_209 {strides = array<i32>} : memref<80xi32, #tpu.memory_space<vmem>>, vector<16xi32>,
        %get3A_212 = arith.constant 1 : i32
        %get3A_213 = arith.index_cast %get3A_212 : i32 to index
        %get3A_214 = arith.constant 32 : index
        %get3A_215 = tpu.vector_load %arg7[%get3A_213, %get3A_214] {strides = array<i32>} : memref<2x80xi32, #tpu.memory_space<vmem>>, vector<16xi32>,
        %swap3A_216 = arith.constant 32 : index
        %swap3A_217 = tpu.vector_load %arg14[%swap3A_216] {strides = array<i32>} : memref<80xi32, #tpu.memory_space<vmem>>, vector<16xi32>,
        tpu.vector_store %arg14[%swap3A_216], %get3A_215 {strides = array<i32>} : memref<80xi32, #tpu.memory_space<vmem>>, vector<16xi32>,
        %get3A_218 = arith.constant 1 : i32
        %get3A_219 = arith.index_cast %get3A_218 : i32 to index
        %get3A_220 = arith.constant 48 : index
        %get3A_221 = tpu.vector_load %arg7[%get3A_219, %get3A_220] {strides = array<i32>} : memref<2x80xi32, #tpu.memory_space<vmem>>, vector<16xi32>,
        %swap3A_222 = arith.constant 48 : index
        %swap3A_223 = tpu.vector_load %arg14[%swap3A_222] {strides = array<i32>} : memref<80xi32, #tpu.memory_space<vmem>>, vector<16xi32>,
        tpu.vector_store %arg14[%swap3A_222], %get3A_221 {strides = array<i32>} : memref<80xi32, #tpu.memory_space<vmem>>, vector<16xi32>,
        %get3A_224 = arith.constant 1 : i32
        %get3A_225 = arith.index_cast %get3A_224 : i32 to index
        %get3A_226 = arith.constant 64 : index
        %get3A_227 = tpu.vector_load %arg7[%get3A_225, %get3A_226] {strides = array<i32>} : memref<2x80xi32, #tpu.memory_space<vmem>>, vector<16xi32>,
        %swap3A_228 = arith.constant 64 : index
        %swap3A_229 = tpu.vector_load %arg14[%swap3A_228] {strides = array<i32>} : memref<80xi32, #tpu.memory_space<vmem>>, vector<16xi32>,
        tpu.vector_store %arg14[%swap3A_228], %get3A_227 {strides = array<i32>} : memref<80xi32, #tpu.memory_space<vmem>>, vector<16xi32>,
        %add3A_230 = arith.constant 2 : i32
        %add3A_231 = arith.addi %add3A_181, %add3A_230 : i32
        %lt3A_232 = arith.constant 125 : i32
        %lt3A_233 = arith.cmpi slt, %add3A_231, %lt3A_232 : i32
        %convert_element_type3A_234 = arith.extui %lt3A_233 : i1 to i32
        %cond3A_235 = arith.constant 0 : i32
        %cond3A_236 = arith.cmpi ne, %convert_element_type3A_234, %cond3A_235 : i32
        scf.if %cond3A_236 {
          %add3A_304 = arith.constant 2 : i32
          %add3A_305 = arith.addi %add3A_181, %add3A_304 : i32
          %dma_start3A_306 = arith.constant 0 : i32
          %dma_start3A_307 = arith.constant 0 : i32
          %dma_start3A_308 = tpu.memref_slice %arg3[%add3A, %add3A_305, %dma_start3A_306, %dma_start3A_307] : memref<32x125x2x80xi32, #tpu.memory_space<hbm>> -> memref<1x1x2x80xi32, #tpu.memory_space<hbm>>
          %dma_start3A_309 = tpu.memref_squeeze %dma_start3A_308 : memref<1x1x2x80xi32, #tpu.memory_space<hbm>> -> memref<2x80xi32, #tpu.memory_space<hbm>>
          %dma_start3A_310 = arith.constant 0 : i32
          %dma_start3A_311 = arith.constant 0 : i32
          %dma_start3A_312 = tpu.memref_slice %arg3[%add3A, %add3A_305, %dma_start3A_310, %dma_start3A_311] : memref<32x125x2x80xi32, #tpu.memory_space<hbm>> -> memref<1x1x2x80xi32, #tpu.memory_space<hbm>>
          %dma_start3A_313 = tpu.memref_squeeze %dma_start3A_312 : memref<1x1x2x80xi32, #tpu.memory_space<hbm>> -> memref<2x80xi32, #tpu.memory_space<hbm>>
          tpu.enqueue_dma source(%dma_start3A_313 : memref<2x80xi32, #tpu.memory_space<hbm>>) target(%arg7 : memref<2x80xi32, #tpu.memory_space<vmem>>) target_semaphore(%arg18 : memref<!tpu.dma_semaphore, #tpu.memory_space<semaphore_mem>>)
        } else {
        }
        %broadcast_in_dim3A_237 = arith.constant 1.000000e+00 : f32
        %broadcast_in_dim3A_238 = vector.broadcast %broadcast_in_dim3A_237 : f32 to vector<16xf32>
        %get3A_239 = arith.constant 0 : i32
        %get3A_240 = arith.index_cast %get3A_239 : i32 to index
        %get3A_241 = arith.constant 0 : index
        %get3A_242 = tpu.vector_load %arg11[%get3A_240, %get3A_241] {strides = array<i32>} : memref<80x128xf32, #tpu.memory_space<vmem>>, vector<16xf32>,
        %mul3A_243 = arith.constant 0.000000e+00 : f32
        %mul3A_244 = vector.broadcast %mul3A_243 : f32 to vector<16xf32>
        %mul3A_245 = arith.mulf %get3A_242, %mul3A_244 : vector<16xf32>
        %add3A_246 = arith.addf %broadcast_in_dim3A_238, %mul3A_245 : vector<16xf32>
        %swap3A_247 = arith.constant 0 : index
        %swap3A_248 = tpu.vector_load %arg12[%swap3A_247] {strides = array<i32>} : memref<80xf32, #tpu.memory_space<vmem>>, vector<16xf32>,
        tpu.vector_store %arg12[%swap3A_247], %add3A_246 {strides = array<i32>} : memref<80xf32, #tpu.memory_space<vmem>>, vector<16xf32>,
        %broadcast_in_dim3A_249 = arith.constant 1.000000e+00 : f32
        %broadcast_in_dim3A_250 = vector.broadcast %broadcast_in_dim3A_249 : f32 to vector<16xf32>
        %get3A_251 = arith.constant 0 : i32
        %get3A_252 = arith.index_cast %get3A_251 : i32 to index
        %get3A_253 = arith.constant 0 : index
        %get3A_254 = tpu.vector_load %arg11[%get3A_252, %get3A_253] {strides = array<i32>} : memref<80x128xf32, #tpu.memory_space<vmem>>, vector<16xf32>,
        %mul3A_255 = arith.constant 0.000000e+00 : f32
        %mul3A_256 = vector.broadcast %mul3A_255 : f32 to vector<16xf32>
        %mul3A_257 = arith.mulf %get3A_254, %mul3A_256 : vector<16xf32>
        %add3A_258 = arith.addf %broadcast_in_dim3A_250, %mul3A_257 : vector<16xf32>
        %swap3A_259 = arith.constant 16 : index
        %swap3A_260 = tpu.vector_load %arg12[%swap3A_259] {strides = array<i32>} : memref<80xf32, #tpu.memory_space<vmem>>, vector<16xf32>,
        tpu.vector_store %arg12[%swap3A_259], %add3A_258 {strides = array<i32>} : memref<80xf32, #tpu.memory_space<vmem>>, vector<16xf32>,
        %broadcast_in_dim3A_261 = arith.constant 1.000000e+00 : f32
        %broadcast_in_dim3A_262 = vector.broadcast %broadcast_in_dim3A_261 : f32 to vector<16xf32>
        %get3A_263 = arith.constant 0 : i32
        %get3A_264 = arith.index_cast %get3A_263 : i32 to index
        %get3A_265 = arith.constant 0 : index
        %get3A_266 = tpu.vector_load %arg11[%get3A_264, %get3A_265] {strides = array<i32>} : memref<80x128xf32, #tpu.memory_space<vmem>>, vector<16xf32>,
        %mul3A_267 = arith.constant 0.000000e+00 : f32
        %mul3A_268 = vector.broadcast %mul3A_267 : f32 to vector<16xf32>
        %mul3A_269 = arith.mulf %get3A_266, %mul3A_268 : vector<16xf32>
        %add3A_270 = arith.addf %broadcast_in_dim3A_262, %mul3A_269 : vector<16xf32>
        %swap3A_271 = arith.constant 32 : index
        %swap3A_272 = tpu.vector_load %arg12[%swap3A_271] {strides = array<i32>} : memref<80xf32, #tpu.memory_space<vmem>>, vector<16xf32>,
        tpu.vector_store %arg12[%swap3A_271], %add3A_270 {strides = array<i32>} : memref<80xf32, #tpu.memory_space<vmem>>, vector<16xf32>,
        %broadcast_in_dim3A_273 = arith.constant 1.000000e+00 : f32
        %broadcast_in_dim3A_274 = vector.broadcast %broadcast_in_dim3A_273 : f32 to vector<16xf32>
        %get3A_275 = arith.constant 0 : i32
        %get3A_276 = arith.index_cast %get3A_275 : i32 to index
        %get3A_277 = arith.constant 0 : index
        %get3A_278 = tpu.vector_load %arg11[%get3A_276, %get3A_277] {strides = array<i32>} : memref<80x128xf32, #tpu.memory_space<vmem>>, vector<16xf32>,
        %mul3A_279 = arith.constant 0.000000e+00 : f32
        %mul3A_280 = vector.broadcast %mul3A_279 : f32 to vector<16xf32>
        %mul3A_281 = arith.mulf %get3A_278, %mul3A_280 : vector<16xf32>
        %add3A_282 = arith.addf %broadcast_in_dim3A_274, %mul3A_281 : vector<16xf32>
        %swap3A_283 = arith.constant 48 : index
        %swap3A_284 = tpu.vector_load %arg12[%swap3A_283] {strides = array<i32>} : memref<80xf32, #tpu.memory_space<vmem>>, vector<16xf32>,
        tpu.vector_store %arg12[%swap3A_283], %add3A_282 {strides = array<i32>} : memref<80xf32, #tpu.memory_space<vmem>>, vector<16xf32>,
        %broadcast_in_dim3A_285 = arith.constant 1.000000e+00 : f32
        %broadcast_in_dim3A_286 = vector.broadcast %broadcast_in_dim3A_285 : f32 to vector<16xf32>
        %get3A_287 = arith.constant 0 : i32
        %get3A_288 = arith.index_cast %get3A_287 : i32 to index
        %get3A_289 = arith.constant 0 : index
        %get3A_290 = tpu.vector_load %arg11[%get3A_288, %get3A_289] {strides = array<i32>} : memref<80x128xf32, #tpu.memory_space<vmem>>, vector<16xf32>,
        %mul3A_291 = arith.constant 0.000000e+00 : f32
        %mul3A_292 = vector.broadcast %mul3A_291 : f32 to vector<16xf32>
        %mul3A_293 = arith.mulf %get3A_290, %mul3A_292 : vector<16xf32>
        %add3A_294 = arith.addf %broadcast_in_dim3A_286, %mul3A_293 : vector<16xf32>
        %swap3A_295 = arith.constant 64 : index
        %swap3A_296 = tpu.vector_load %arg12[%swap3A_295] {strides = array<i32>} : memref<80xf32, #tpu.memory_space<vmem>>, vector<16xf32>,
        tpu.vector_store %arg12[%swap3A_295], %add3A_294 {strides = array<i32>} : memref<80xf32, #tpu.memory_space<vmem>>, vector<16xf32>,
        "tpu.region"() ({
          %run_scoped3A_304 = tpu.sem_alloc : memref<!tpu.dma_semaphore, #tpu.memory_space<semaphore_mem>>
          %dma_start3A_305 = arith.constant 0 : i32
          %dma_start3A_306 = arith.constant 0 : i32
          %dma_start3A_307 = tpu.memref_slice %arg15[%dma_start3A_305, %dma_start3A_306] : memref<10000x128xf32, #tpu.memory_space<vmem_shared>> -> memref<10000x128xf32, #tpu.memory_space<vmem_shared>>
          tpu.enqueue_indirect_dma source(%arg9 : memref<80x128xf32, #tpu.memory_space<vmem>>) target(%dma_start3A_307 : memref<10000x128xf32, #tpu.memory_space<vmem_shared>>) offsets(%arg14 : memref<80xi32, #tpu.memory_space<vmem>>) semaphore(%run_scoped3A_304 : memref<!tpu.dma_semaphore, #tpu.memory_space<semaphore_mem>>) {add = true}
          %dma_wait3A_308 = arith.constant 0 : i32
          %dma_wait3A_309 = arith.constant 0 : i32
          %dma_wait3A_310 = tpu.memref_slice %arg15[%dma_wait3A_308, %dma_wait3A_309] : memref<10000x128xf32, #tpu.memory_space<vmem_shared>> -> memref<10000x128xf32, #tpu.memory_space<vmem_shared>>
          tpu.wait_indirect_dma semaphore(%run_scoped3A_304 : memref<!tpu.dma_semaphore, #tpu.memory_space<semaphore_mem>>) src(%arg9 : memref<80x128xf32, #tpu.memory_space<vmem>>) dst(%dma_wait3A_310 : memref<10000x128xf32, #tpu.memory_space<vmem_shared>>)
          tpu.yield
        }) : () -> ()
        "tpu.region"() ({
          %run_scoped3A_304 = tpu.sem_alloc : memref<!tpu.dma_semaphore, #tpu.memory_space<semaphore_mem>>
          %dma_start3A_305 = arith.constant 0 : i32
          %dma_start3A_306 = tpu.memref_slice %arg16[%dma_start3A_305] : memref<10000xf32, #tpu.memory_space<vmem_shared>> -> memref<10000xf32, #tpu.memory_space<vmem_shared>>
          tpu.enqueue_indirect_dma source(%arg12 : memref<80xf32, #tpu.memory_space<vmem>>) target(%dma_start3A_306 : memref<10000xf32, #tpu.memory_space<vmem_shared>>) offsets(%arg14 : memref<80xi32, #tpu.memory_space<vmem>>) semaphore(%run_scoped3A_304 : memref<!tpu.dma_semaphore, #tpu.memory_space<semaphore_mem>>) {add = true}
          %dma_wait3A_307 = arith.constant 0 : i32
          %dma_wait3A_308 = tpu.memref_slice %arg16[%dma_wait3A_307] : memref<10000xf32, #tpu.memory_space<vmem_shared>> -> memref<10000xf32, #tpu.memory_space<vmem_shared>>
          tpu.wait_indirect_dma semaphore(%run_scoped3A_304 : memref<!tpu.dma_semaphore, #tpu.memory_space<semaphore_mem>>) src(%arg12 : memref<80xf32, #tpu.memory_space<vmem>>) dst(%dma_wait3A_308 : memref<10000xf32, #tpu.memory_space<vmem_shared>>)
          tpu.yield
        }) : () -> ()
        %add3A_297 = arith.constant 2 : i32
        %add3A_298 = arith.addi %add3A_181, %add3A_297 : i32
        %lt3A_299 = arith.constant 125 : i32
        %lt3A_300 = arith.cmpi slt, %add3A_298, %lt3A_299 : i32
        %convert_element_type3A_301 = arith.extui %lt3A_300 : i1 to i32
        %cond3A_302 = arith.constant 0 : i32
        %cond3A_303 = arith.cmpi ne, %convert_element_type3A_301, %cond3A_302 : i32
        scf.if %cond3A_303 {
          %add3A_304 = arith.constant 2 : i32
          %add3A_305 = arith.addi %add3A_181, %add3A_304 : i32
          %dma_wait3A_306 = arith.constant 0 : i32
          %dma_wait3A_307 = arith.constant 0 : i32
          %dma_wait3A_308 = tpu.memref_slice %arg3[%add3A, %add3A_305, %dma_wait3A_306, %dma_wait3A_307] : memref<32x125x2x80xi32, #tpu.memory_space<hbm>> -> memref<1x1x2x80xi32, #tpu.memory_space<hbm>>
          %dma_wait3A_309 = tpu.memref_squeeze %dma_wait3A_308 : memref<1x1x2x80xi32, #tpu.memory_space<hbm>> -> memref<2x80xi32, #tpu.memory_space<hbm>>
          %dma_wait3A_310 = arith.constant 0 : i32
          %dma_wait3A_311 = arith.constant 0 : i32
          %dma_wait3A_312 = tpu.memref_slice %arg3[%add3A, %add3A_305, %dma_wait3A_310, %dma_wait3A_311] : memref<32x125x2x80xi32, #tpu.memory_space<hbm>> -> memref<1x1x2x80xi32, #tpu.memory_space<hbm>>
          %dma_wait3A_313 = tpu.memref_squeeze %dma_wait3A_312 : memref<1x1x2x80xi32, #tpu.memory_space<hbm>> -> memref<2x80xi32, #tpu.memory_space<hbm>>
          tpu.wait_dma2 semaphore(%arg18 : memref<!tpu.dma_semaphore, #tpu.memory_space<semaphore_mem>>) src(%dma_wait3A_313 : memref<2x80xi32, #tpu.memory_space<hbm>>) dst(%arg7 : memref<2x80xi32, #tpu.memory_space<vmem>>)
          %add3A_314 = arith.constant 2 : i32
          %add3A_315 = arith.addi %add3A_181, %add3A_314 : i32
          %dma_start3A_316 = arith.constant 0 : i32
          %dma_start3A_317 = arith.constant 0 : i32
          %dma_start3A_318 = tpu.memref_slice %arg7[%dma_start3A_316, %dma_start3A_317] : memref<2x80xi32, #tpu.memory_space<vmem>> -> memref<1x80xi32, #tpu.memory_space<vmem>>
          %dma_start3A_319 = tpu.memref_squeeze %dma_start3A_318 : memref<1x80xi32, #tpu.memory_space<vmem>> -> memref<80xi32, #tpu.memory_space<vmem>>
          %dma_start3A_320 = arith.constant 0 : i32
          %dma_start3A_321 = arith.constant 0 : i32
          %dma_start3A_322 = tpu.memref_slice %arg2[%dma_start3A_320, %dma_start3A_321] : memref<10000x128xf32, #tpu.memory_space<hbm>> -> memref<10000x128xf32, #tpu.memory_space<hbm>>
          tpu.enqueue_indirect_dma source(%dma_start3A_322 : memref<10000x128xf32, #tpu.memory_space<hbm>>) target(%arg9 : memref<80x128xf32, #tpu.memory_space<vmem>>) offsets(%dma_start3A_319 : memref<80xi32, #tpu.memory_space<vmem>>) semaphore(%arg20 : memref<!tpu.dma_semaphore, #tpu.memory_space<semaphore_mem>>)
          %dma_start3A_323 = arith.constant 1 : i32
          %dma_start3A_324 = arith.constant 0 : i32
          %dma_start3A_325 = tpu.memref_slice %arg7[%dma_start3A_323, %dma_start3A_324] : memref<2x80xi32, #tpu.memory_space<vmem>> -> memref<1x80xi32, #tpu.memory_space<vmem>>
          %dma_start3A_326 = tpu.memref_squeeze %dma_start3A_325 : memref<1x80xi32, #tpu.memory_space<vmem>> -> memref<80xi32, #tpu.memory_space<vmem>>
          %dma_start3A_327 = arith.constant 0 : i32
          %dma_start3A_328 = arith.constant 0 : i32
          %dma_start3A_329 = tpu.memref_slice %arg2[%dma_start3A_327, %dma_start3A_328] : memref<10000x128xf32, #tpu.memory_space<hbm>> -> memref<10000x128xf32, #tpu.memory_space<hbm>>
          tpu.enqueue_indirect_dma source(%dma_start3A_329 : memref<10000x128xf32, #tpu.memory_space<hbm>>) target(%arg11 : memref<80x128xf32, #tpu.memory_space<vmem>>) offsets(%dma_start3A_326 : memref<80xi32, #tpu.memory_space<vmem>>) semaphore(%arg22 : memref<!tpu.dma_semaphore, #tpu.memory_space<semaphore_mem>>)
        } else {
        }
      } else {
      }
      %scan3A_187 = arith.constant 0 : i32
      scf.yield %scan3A_187 : i32
    }
    %scan3A_108 = arith.constant 63 : i32
    %barrier3A_109 = arith.constant 0 : index
    tpu.barrier barrier_id(%barrier3A_109)
    %add3A_110 = arith.constant 0 : i32
    %add3A_111 = arith.addi %arg1, %add3A_110 : i32
    %lt3A_112 = arith.constant 125 : i32
    %lt3A_113 = arith.cmpi slt, %add3A_111, %lt3A_112 : i32
    %convert_element_type3A_114 = arith.extui %lt3A_113 : i1 to i32
    %cond3A_115 = arith.constant 0 : i32
    %cond3A_116 = arith.cmpi ne, %convert_element_type3A_114, %cond3A_115 : i32
    scf.if %cond3A_116 {
      %mul3A_171 = arith.constant 80 : i32
      %mul3A_172 = arith.muli %add3A_111, %mul3A_171 : i32
      %mul3A_173 = arith.constant 80 : i32
      %mul3A_174 = arith.muli %add3A_111, %mul3A_173 : i32
      "tpu.region"() ({
        %run_scoped3A_175 = tpu.sem_alloc : memref<!tpu.dma_semaphore, #tpu.memory_space<semaphore_mem>>
        %dma_start3A_176 = arith.constant 0 : i32
        %dma_start3A_177 = tpu.memref_slice %arg4[%arg0, %mul3A_174, %dma_start3A_176] : memref<2x10000x128xf32, #tpu.memory_space<hbm>> -> memref<1x80x128xf32, #tpu.memory_space<hbm>>
        %dma_start3A_178 = tpu.memref_squeeze %dma_start3A_177 : memref<1x80x128xf32, #tpu.memory_space<hbm>> -> memref<80x128xf32, #tpu.memory_space<hbm>>
        %dma_start3A_179 = arith.constant 0 : i32
        %dma_start3A_180 = tpu.memref_slice %arg15[%mul3A_172, %dma_start3A_179] : memref<10000x128xf32, #tpu.memory_space<vmem_shared>> -> memref<80x128xf32, #tpu.memory_space<vmem_shared>>
        tpu.enqueue_dma source(%dma_start3A_180 : memref<80x128xf32, #tpu.memory_space<vmem_shared>>) target(%dma_start3A_178 : memref<80x128xf32, #tpu.memory_space<hbm>>) target_semaphore(%run_scoped3A_175 : memref<!tpu.dma_semaphore, #tpu.memory_space<semaphore_mem>>)
        %dma_wait3A = arith.constant 0 : i32
        %dma_wait3A_181 = tpu.memref_slice %arg4[%arg0, %mul3A_174, %dma_wait3A] : memref<2x10000x128xf32, #tpu.memory_space<hbm>> -> memref<1x80x128xf32, #tpu.memory_space<hbm>>
        %dma_wait3A_182 = tpu.memref_squeeze %dma_wait3A_181 : memref<1x80x128xf32, #tpu.memory_space<hbm>> -> memref<80x128xf32, #tpu.memory_space<hbm>>
        %dma_wait3A_183 = arith.constant 0 : i32
        %dma_wait3A_184 = tpu.memref_slice %arg15[%mul3A_172, %dma_wait3A_183] : memref<10000x128xf32, #tpu.memory_space<vmem_shared>> -> memref<80x128xf32, #tpu.memory_space<vmem_shared>>
        tpu.wait_dma2 semaphore(%run_scoped3A_175 : memref<!tpu.dma_semaphore, #tpu.memory_space<semaphore_mem>>) src(%dma_wait3A_184 : memref<80x128xf32, #tpu.memory_space<vmem_shared>>) dst(%dma_wait3A_182 : memref<80x128xf32, #tpu.memory_space<hbm>>)
        tpu.yield
      }) : () -> ()
    } else {
    }
    %add3A_117 = arith.constant 16 : i32
    %add3A_118 = arith.addi %arg1, %add3A_117 : i32
    %lt3A_119 = arith.constant 125 : i32
    %lt3A_120 = arith.cmpi slt, %add3A_118, %lt3A_119 : i32
    %convert_element_type3A_121 = arith.extui %lt3A_120 : i1 to i32
    %cond3A_122 = arith.constant 0 : i32
    %cond3A_123 = arith.cmpi ne, %convert_element_type3A_121, %cond3A_122 : i32
    scf.if %cond3A_123 {
      %mul3A_171 = arith.constant 80 : i32
      %mul3A_172 = arith.muli %add3A_118, %mul3A_171 : i32
      %mul3A_173 = arith.constant 80 : i32
      %mul3A_174 = arith.muli %add3A_118, %mul3A_173 : i32
      "tpu.region"() ({
        %run_scoped3A_175 = tpu.sem_alloc : memref<!tpu.dma_semaphore, #tpu.memory_space<semaphore_mem>>
        %dma_start3A_176 = arith.constant 0 : i32
        %dma_start3A_177 = tpu.memref_slice %arg4[%arg0, %mul3A_174, %dma_start3A_176] : memref<2x10000x128xf32, #tpu.memory_space<hbm>> -> memref<1x80x128xf32, #tpu.memory_space<hbm>>
        %dma_start3A_178 = tpu.memref_squeeze %dma_start3A_177 : memref<1x80x128xf32, #tpu.memory_space<hbm>> -> memref<80x128xf32, #tpu.memory_space<hbm>>
        %dma_start3A_179 = arith.constant 0 : i32
        %dma_start3A_180 = tpu.memref_slice %arg15[%mul3A_172, %dma_start3A_179] : memref<10000x128xf32, #tpu.memory_space<vmem_shared>> -> memref<80x128xf32, #tpu.memory_space<vmem_shared>>
        tpu.enqueue_dma source(%dma_start3A_180 : memref<80x128xf32, #tpu.memory_space<vmem_shared>>) target(%dma_start3A_178 : memref<80x128xf32, #tpu.memory_space<hbm>>) target_semaphore(%run_scoped3A_175 : memref<!tpu.dma_semaphore, #tpu.memory_space<semaphore_mem>>)
        %dma_wait3A = arith.constant 0 : i32
        %dma_wait3A_181 = tpu.memref_slice %arg4[%arg0, %mul3A_174, %dma_wait3A] : memref<2x10000x128xf32, #tpu.memory_space<hbm>> -> memref<1x80x128xf32, #tpu.memory_space<hbm>>
        %dma_wait3A_182 = tpu.memref_squeeze %dma_wait3A_181 : memref<1x80x128xf32, #tpu.memory_space<hbm>> -> memref<80x128xf32, #tpu.memory_space<hbm>>
        %dma_wait3A_183 = arith.constant 0 : i32
        %dma_wait3A_184 = tpu.memref_slice %arg15[%mul3A_172, %dma_wait3A_183] : memref<10000x128xf32, #tpu.memory_space<vmem_shared>> -> memref<80x128xf32, #tpu.memory_space<vmem_shared>>
        tpu.wait_dma2 semaphore(%run_scoped3A_175 : memref<!tpu.dma_semaphore, #tpu.memory_space<semaphore_mem>>) src(%dma_wait3A_184 : memref<80x128xf32, #tpu.memory_space<vmem_shared>>) dst(%dma_wait3A_182 : memref<80x128xf32, #tpu.memory_space<hbm>>)
        tpu.yield
      }) : () -> ()
    } else {
    }
    %add3A_124 = arith.constant 32 : i32
    %add3A_125 = arith.addi %arg1, %add3A_124 : i32
    %lt3A_126 = arith.constant 125 : i32
    %lt3A_127 = arith.cmpi slt, %add3A_125, %lt3A_126 : i32
    %convert_element_type3A_128 = arith.extui %lt3A_127 : i1 to i32
    %cond3A_129 = arith.constant 0 : i32
    %cond3A_130 = arith.cmpi ne, %convert_element_type3A_128, %cond3A_129 : i32
    scf.if %cond3A_130 {
      %mul3A_171 = arith.constant 80 : i32
      %mul3A_172 = arith.muli %add3A_125, %mul3A_171 : i32
      %mul3A_173 = arith.constant 80 : i32
      %mul3A_174 = arith.muli %add3A_125, %mul3A_173 : i32
      "tpu.region"() ({
        %run_scoped3A_175 = tpu.sem_alloc : memref<!tpu.dma_semaphore, #tpu.memory_space<semaphore_mem>>
        %dma_start3A_176 = arith.constant 0 : i32
        %dma_start3A_177 = tpu.memref_slice %arg4[%arg0, %mul3A_174, %dma_start3A_176] : memref<2x10000x128xf32, #tpu.memory_space<hbm>> -> memref<1x80x128xf32, #tpu.memory_space<hbm>>
        %dma_start3A_178 = tpu.memref_squeeze %dma_start3A_177 : memref<1x80x128xf32, #tpu.memory_space<hbm>> -> memref<80x128xf32, #tpu.memory_space<hbm>>
        %dma_start3A_179 = arith.constant 0 : i32
        %dma_start3A_180 = tpu.memref_slice %arg15[%mul3A_172, %dma_start3A_179] : memref<10000x128xf32, #tpu.memory_space<vmem_shared>> -> memref<80x128xf32, #tpu.memory_space<vmem_shared>>
        tpu.enqueue_dma source(%dma_start3A_180 : memref<80x128xf32, #tpu.memory_space<vmem_shared>>) target(%dma_start3A_178 : memref<80x128xf32, #tpu.memory_space<hbm>>) target_semaphore(%run_scoped3A_175 : memref<!tpu.dma_semaphore, #tpu.memory_space<semaphore_mem>>)
        %dma_wait3A = arith.constant 0 : i32
        %dma_wait3A_181 = tpu.memref_slice %arg4[%arg0, %mul3A_174, %dma_wait3A] : memref<2x10000x128xf32, #tpu.memory_space<hbm>> -> memref<1x80x128xf32, #tpu.memory_space<hbm>>
        %dma_wait3A_182 = tpu.memref_squeeze %dma_wait3A_181 : memref<1x80x128xf32, #tpu.memory_space<hbm>> -> memref<80x128xf32, #tpu.memory_space<hbm>>
        %dma_wait3A_183 = arith.constant 0 : i32
        %dma_wait3A_184 = tpu.memref_slice %arg15[%mul3A_172, %dma_wait3A_183] : memref<10000x128xf32, #tpu.memory_space<vmem_shared>> -> memref<80x128xf32, #tpu.memory_space<vmem_shared>>
        tpu.wait_dma2 semaphore(%run_scoped3A_175 : memref<!tpu.dma_semaphore, #tpu.memory_space<semaphore_mem>>) src(%dma_wait3A_184 : memref<80x128xf32, #tpu.memory_space<vmem_shared>>) dst(%dma_wait3A_182 : memref<80x128xf32, #tpu.memory_space<hbm>>)
        tpu.yield
      }) : () -> ()
    } else {
    }
    %add3A_131 = arith.constant 48 : i32
    %add3A_132 = arith.addi %arg1, %add3A_131 : i32
    %lt3A_133 = arith.constant 125 : i32
    %lt3A_134 = arith.cmpi slt, %add3A_132, %lt3A_133 : i32
    %convert_element_type3A_135 = arith.extui %lt3A_134 : i1 to i32
    %cond3A_136 = arith.constant 0 : i32
    %cond3A_137 = arith.cmpi ne, %convert_element_type3A_135, %cond3A_136 : i32
    scf.if %cond3A_137 {
      %mul3A_171 = arith.constant 80 : i32
      %mul3A_172 = arith.muli %add3A_132, %mul3A_171 : i32
      %mul3A_173 = arith.constant 80 : i32
      %mul3A_174 = arith.muli %add3A_132, %mul3A_173 : i32
      "tpu.region"() ({
        %run_scoped3A_175 = tpu.sem_alloc : memref<!tpu.dma_semaphore, #tpu.memory_space<semaphore_mem>>
        %dma_start3A_176 = arith.constant 0 : i32
        %dma_start3A_177 = tpu.memref_slice %arg4[%arg0, %mul3A_174, %dma_start3A_176] : memref<2x10000x128xf32, #tpu.memory_space<hbm>> -> memref<1x80x128xf32, #tpu.memory_space<hbm>>
        %dma_start3A_178 = tpu.memref_squeeze %dma_start3A_177 : memref<1x80x128xf32, #tpu.memory_space<hbm>> -> memref<80x128xf32, #tpu.memory_space<hbm>>
        %dma_start3A_179 = arith.constant 0 : i32
        %dma_start3A_180 = tpu.memref_slice %arg15[%mul3A_172, %dma_start3A_179] : memref<10000x128xf32, #tpu.memory_space<vmem_shared>> -> memref<80x128xf32, #tpu.memory_space<vmem_shared>>
        tpu.enqueue_dma source(%dma_start3A_180 : memref<80x128xf32, #tpu.memory_space<vmem_shared>>) target(%dma_start3A_178 : memref<80x128xf32, #tpu.memory_space<hbm>>) target_semaphore(%run_scoped3A_175 : memref<!tpu.dma_semaphore, #tpu.memory_space<semaphore_mem>>)
        %dma_wait3A = arith.constant 0 : i32
        %dma_wait3A_181 = tpu.memref_slice %arg4[%arg0, %mul3A_174, %dma_wait3A] : memref<2x10000x128xf32, #tpu.memory_space<hbm>> -> memref<1x80x128xf32, #tpu.memory_space<hbm>>
        %dma_wait3A_182 = tpu.memref_squeeze %dma_wait3A_181 : memref<1x80x128xf32, #tpu.memory_space<hbm>> -> memref<80x128xf32, #tpu.memory_space<hbm>>
        %dma_wait3A_183 = arith.constant 0 : i32
        %dma_wait3A_184 = tpu.memref_slice %arg15[%mul3A_172, %dma_wait3A_183] : memref<10000x128xf32, #tpu.memory_space<vmem_shared>> -> memref<80x128xf32, #tpu.memory_space<vmem_shared>>
        tpu.wait_dma2 semaphore(%run_scoped3A_175 : memref<!tpu.dma_semaphore, #tpu.memory_space<semaphore_mem>>) src(%dma_wait3A_184 : memref<80x128xf32, #tpu.memory_space<vmem_shared>>) dst(%dma_wait3A_182 : memref<80x128xf32, #tpu.memory_space<hbm>>)
        tpu.yield
      }) : () -> ()
    } else {
    }
    %add3A_138 = arith.constant 64 : i32
    %add3A_139 = arith.addi %arg1, %add3A_138 : i32
    %lt3A_140 = arith.constant 125 : i32
    %lt3A_141 = arith.cmpi slt, %add3A_139, %lt3A_140 : i32
    %convert_element_type3A_142 = arith.extui %lt3A_141 : i1 to i32
    %cond3A_143 = arith.constant 0 : i32
    %cond3A_144 = arith.cmpi ne, %convert_element_type3A_142, %cond3A_143 : i32
    scf.if %cond3A_144 {
      %mul3A_171 = arith.constant 80 : i32
      %mul3A_172 = arith.muli %add3A_139, %mul3A_171 : i32
      %mul3A_173 = arith.constant 80 : i32
      %mul3A_174 = arith.muli %add3A_139, %mul3A_173 : i32
      "tpu.region"() ({
        %run_scoped3A_175 = tpu.sem_alloc : memref<!tpu.dma_semaphore, #tpu.memory_space<semaphore_mem>>
        %dma_start3A_176 = arith.constant 0 : i32
        %dma_start3A_177 = tpu.memref_slice %arg4[%arg0, %mul3A_174, %dma_start3A_176] : memref<2x10000x128xf32, #tpu.memory_space<hbm>> -> memref<1x80x128xf32, #tpu.memory_space<hbm>>
        %dma_start3A_178 = tpu.memref_squeeze %dma_start3A_177 : memref<1x80x128xf32, #tpu.memory_space<hbm>> -> memref<80x128xf32, #tpu.memory_space<hbm>>
        %dma_start3A_179 = arith.constant 0 : i32
        %dma_start3A_180 = tpu.memref_slice %arg15[%mul3A_172, %dma_start3A_179] : memref<10000x128xf32, #tpu.memory_space<vmem_shared>> -> memref<80x128xf32, #tpu.memory_space<vmem_shared>>
        tpu.enqueue_dma source(%dma_start3A_180 : memref<80x128xf32, #tpu.memory_space<vmem_shared>>) target(%dma_start3A_178 : memref<80x128xf32, #tpu.memory_space<hbm>>) target_semaphore(%run_scoped3A_175 : memref<!tpu.dma_semaphore, #tpu.memory_space<semaphore_mem>>)
        %dma_wait3A = arith.constant 0 : i32
        %dma_wait3A_181 = tpu.memref_slice %arg4[%arg0, %mul3A_174, %dma_wait3A] : memref<2x10000x128xf32, #tpu.memory_space<hbm>> -> memref<1x80x128xf32, #tpu.memory_space<hbm>>
        %dma_wait3A_182 = tpu.memref_squeeze %dma_wait3A_181 : memref<1x80x128xf32, #tpu.memory_space<hbm>> -> memref<80x128xf32, #tpu.memory_space<hbm>>
        %dma_wait3A_183 = arith.constant 0 : i32
        %dma_wait3A_184 = tpu.memref_slice %arg15[%mul3A_172, %dma_wait3A_183] : memref<10000x128xf32, #tpu.memory_space<vmem_shared>> -> memref<80x128xf32, #tpu.memory_space<vmem_shared>>
        tpu.wait_dma2 semaphore(%run_scoped3A_175 : memref<!tpu.dma_semaphore, #tpu.memory_space<semaphore_mem>>) src(%dma_wait3A_184 : memref<80x128xf32, #tpu.memory_space<vmem_shared>>) dst(%dma_wait3A_182 : memref<80x128xf32, #tpu.memory_space<hbm>>)
        tpu.yield
      }) : () -> ()
    } else {
    }
    %add3A_145 = arith.constant 80 : i32
    %add3A_146 = arith.addi %arg1, %add3A_145 : i32
    %lt3A_147 = arith.constant 125 : i32
    %lt3A_148 = arith.cmpi slt, %add3A_146, %lt3A_147 : i32
    %convert_element_type3A_149 = arith.extui %lt3A_148 : i1 to i32
    %cond3A_150 = arith.constant 0 : i32
    %cond3A_151 = arith.cmpi ne, %convert_element_type3A_149, %cond3A_150 : i32
    scf.if %cond3A_151 {
      %mul3A_171 = arith.constant 80 : i32
      %mul3A_172 = arith.muli %add3A_146, %mul3A_171 : i32
      %mul3A_173 = arith.constant 80 : i32
      %mul3A_174 = arith.muli %add3A_146, %mul3A_173 : i32
      "tpu.region"() ({
        %run_scoped3A_175 = tpu.sem_alloc : memref<!tpu.dma_semaphore, #tpu.memory_space<semaphore_mem>>
        %dma_start3A_176 = arith.constant 0 : i32
        %dma_start3A_177 = tpu.memref_slice %arg4[%arg0, %mul3A_174, %dma_start3A_176] : memref<2x10000x128xf32, #tpu.memory_space<hbm>> -> memref<1x80x128xf32, #tpu.memory_space<hbm>>
        %dma_start3A_178 = tpu.memref_squeeze %dma_start3A_177 : memref<1x80x128xf32, #tpu.memory_space<hbm>> -> memref<80x128xf32, #tpu.memory_space<hbm>>
        %dma_start3A_179 = arith.constant 0 : i32
        %dma_start3A_180 = tpu.memref_slice %arg15[%mul3A_172, %dma_start3A_179] : memref<10000x128xf32, #tpu.memory_space<vmem_shared>> -> memref<80x128xf32, #tpu.memory_space<vmem_shared>>
        tpu.enqueue_dma source(%dma_start3A_180 : memref<80x128xf32, #tpu.memory_space<vmem_shared>>) target(%dma_start3A_178 : memref<80x128xf32, #tpu.memory_space<hbm>>) target_semaphore(%run_scoped3A_175 : memref<!tpu.dma_semaphore, #tpu.memory_space<semaphore_mem>>)
        %dma_wait3A = arith.constant 0 : i32
        %dma_wait3A_181 = tpu.memref_slice %arg4[%arg0, %mul3A_174, %dma_wait3A] : memref<2x10000x128xf32, #tpu.memory_space<hbm>> -> memref<1x80x128xf32, #tpu.memory_space<hbm>>
        %dma_wait3A_182 = tpu.memref_squeeze %dma_wait3A_181 : memref<1x80x128xf32, #tpu.memory_space<hbm>> -> memref<80x128xf32, #tpu.memory_space<hbm>>
        %dma_wait3A_183 = arith.constant 0 : i32
        %dma_wait3A_184 = tpu.memref_slice %arg15[%mul3A_172, %dma_wait3A_183] : memref<10000x128xf32, #tpu.memory_space<vmem_shared>> -> memref<80x128xf32, #tpu.memory_space<vmem_shared>>
        tpu.wait_dma2 semaphore(%run_scoped3A_175 : memref<!tpu.dma_semaphore, #tpu.memory_space<semaphore_mem>>) src(%dma_wait3A_184 : memref<80x128xf32, #tpu.memory_space<vmem_shared>>) dst(%dma_wait3A_182 : memref<80x128xf32, #tpu.memory_space<hbm>>)
        tpu.yield
      }) : () -> ()
    } else {
    }
    %add3A_152 = arith.constant 96 : i32
    %add3A_153 = arith.addi %arg1, %add3A_152 : i32
    %lt3A_154 = arith.constant 125 : i32
    %lt3A_155 = arith.cmpi slt, %add3A_153, %lt3A_154 : i32
    %convert_element_type3A_156 = arith.extui %lt3A_155 : i1 to i32
    %cond3A_157 = arith.constant 0 : i32
    %cond3A_158 = arith.cmpi ne, %convert_element_type3A_156, %cond3A_157 : i32
    scf.if %cond3A_158 {
      %mul3A_171 = arith.constant 80 : i32
      %mul3A_172 = arith.muli %add3A_153, %mul3A_171 : i32
      %mul3A_173 = arith.constant 80 : i32
      %mul3A_174 = arith.muli %add3A_153, %mul3A_173 : i32
      "tpu.region"() ({
        %run_scoped3A_175 = tpu.sem_alloc : memref<!tpu.dma_semaphore, #tpu.memory_space<semaphore_mem>>
        %dma_start3A_176 = arith.constant 0 : i32
        %dma_start3A_177 = tpu.memref_slice %arg4[%arg0, %mul3A_174, %dma_start3A_176] : memref<2x10000x128xf32, #tpu.memory_space<hbm>> -> memref<1x80x128xf32, #tpu.memory_space<hbm>>
        %dma_start3A_178 = tpu.memref_squeeze %dma_start3A_177 : memref<1x80x128xf32, #tpu.memory_space<hbm>> -> memref<80x128xf32, #tpu.memory_space<hbm>>
        %dma_start3A_179 = arith.constant 0 : i32
        %dma_start3A_180 = tpu.memref_slice %arg15[%mul3A_172, %dma_start3A_179] : memref<10000x128xf32, #tpu.memory_space<vmem_shared>> -> memref<80x128xf32, #tpu.memory_space<vmem_shared>>
        tpu.enqueue_dma source(%dma_start3A_180 : memref<80x128xf32, #tpu.memory_space<vmem_shared>>) target(%dma_start3A_178 : memref<80x128xf32, #tpu.memory_space<hbm>>) target_semaphore(%run_scoped3A_175 : memref<!tpu.dma_semaphore, #tpu.memory_space<semaphore_mem>>)
        %dma_wait3A = arith.constant 0 : i32
        %dma_wait3A_181 = tpu.memref_slice %arg4[%arg0, %mul3A_174, %dma_wait3A] : memref<2x10000x128xf32, #tpu.memory_space<hbm>> -> memref<1x80x128xf32, #tpu.memory_space<hbm>>
        %dma_wait3A_182 = tpu.memref_squeeze %dma_wait3A_181 : memref<1x80x128xf32, #tpu.memory_space<hbm>> -> memref<80x128xf32, #tpu.memory_space<hbm>>
        %dma_wait3A_183 = arith.constant 0 : i32
        %dma_wait3A_184 = tpu.memref_slice %arg15[%mul3A_172, %dma_wait3A_183] : memref<10000x128xf32, #tpu.memory_space<vmem_shared>> -> memref<80x128xf32, #tpu.memory_space<vmem_shared>>
        tpu.wait_dma2 semaphore(%run_scoped3A_175 : memref<!tpu.dma_semaphore, #tpu.memory_space<semaphore_mem>>) src(%dma_wait3A_184 : memref<80x128xf32, #tpu.memory_space<vmem_shared>>) dst(%dma_wait3A_182 : memref<80x128xf32, #tpu.memory_space<hbm>>)
        tpu.yield
      }) : () -> ()
    } else {
    }
    %add3A_159 = arith.constant 112 : i32
    %add3A_160 = arith.addi %arg1, %add3A_159 : i32
    %lt3A_161 = arith.constant 125 : i32
    %lt3A_162 = arith.cmpi slt, %add3A_160, %lt3A_161 : i32
    %convert_element_type3A_163 = arith.extui %lt3A_162 : i1 to i32
    %cond3A_164 = arith.constant 0 : i32
    %cond3A_165 = arith.cmpi ne, %convert_element_type3A_163, %cond3A_164 : i32
    scf.if %cond3A_165 {
      %mul3A_171 = arith.constant 80 : i32
      %mul3A_172 = arith.muli %add3A_160, %mul3A_171 : i32
      %mul3A_173 = arith.constant 80 : i32
      %mul3A_174 = arith.muli %add3A_160, %mul3A_173 : i32
      "tpu.region"() ({
        %run_scoped3A_175 = tpu.sem_alloc : memref<!tpu.dma_semaphore, #tpu.memory_space<semaphore_mem>>
        %dma_start3A_176 = arith.constant 0 : i32
        %dma_start3A_177 = tpu.memref_slice %arg4[%arg0, %mul3A_174, %dma_start3A_176] : memref<2x10000x128xf32, #tpu.memory_space<hbm>> -> memref<1x80x128xf32, #tpu.memory_space<hbm>>
        %dma_start3A_178 = tpu.memref_squeeze %dma_start3A_177 : memref<1x80x128xf32, #tpu.memory_space<hbm>> -> memref<80x128xf32, #tpu.memory_space<hbm>>
        %dma_start3A_179 = arith.constant 0 : i32
        %dma_start3A_180 = tpu.memref_slice %arg15[%mul3A_172, %dma_start3A_179] : memref<10000x128xf32, #tpu.memory_space<vmem_shared>> -> memref<80x128xf32, #tpu.memory_space<vmem_shared>>
        tpu.enqueue_dma source(%dma_start3A_180 : memref<80x128xf32, #tpu.memory_space<vmem_shared>>) target(%dma_start3A_178 : memref<80x128xf32, #tpu.memory_space<hbm>>) target_semaphore(%run_scoped3A_175 : memref<!tpu.dma_semaphore, #tpu.memory_space<semaphore_mem>>)
        %dma_wait3A = arith.constant 0 : i32
        %dma_wait3A_181 = tpu.memref_slice %arg4[%arg0, %mul3A_174, %dma_wait3A] : memref<2x10000x128xf32, #tpu.memory_space<hbm>> -> memref<1x80x128xf32, #tpu.memory_space<hbm>>
        %dma_wait3A_182 = tpu.memref_squeeze %dma_wait3A_181 : memref<1x80x128xf32, #tpu.memory_space<hbm>> -> memref<80x128xf32, #tpu.memory_space<hbm>>
        %dma_wait3A_183 = arith.constant 0 : i32
        %dma_wait3A_184 = tpu.memref_slice %arg15[%mul3A_172, %dma_wait3A_183] : memref<10000x128xf32, #tpu.memory_space<vmem_shared>> -> memref<80x128xf32, #tpu.memory_space<vmem_shared>>
        tpu.wait_dma2 semaphore(%run_scoped3A_175 : memref<!tpu.dma_semaphore, #tpu.memory_space<semaphore_mem>>) src(%dma_wait3A_184 : memref<80x128xf32, #tpu.memory_space<vmem_shared>>) dst(%dma_wait3A_182 : memref<80x128xf32, #tpu.memory_space<hbm>>)
        tpu.yield
      }) : () -> ()
    } else {
    }
    %lt3A_166 = arith.constant 10 : i32
    %lt3A_167 = arith.cmpi slt, %arg1, %lt3A_166 : i32
    %convert_element_type3A_168 = arith.extui %lt3A_167 : i1 to i32
    %cond3A_169 = arith.constant 0 : i32
    %cond3A_170 = arith.cmpi ne, %convert_element_type3A_168, %cond3A_169 : i32
    scf.if %cond3A_170 {
      %mul3A_171 = arith.constant 1000 : i32
      %mul3A_172 = arith.muli %arg1, %mul3A_171 : i32
      "tpu.region"() ({
        %run_scoped3A_178 = tpu.sem_alloc : memref<!tpu.dma_semaphore, #tpu.memory_space<semaphore_mem>>
        %dma_start3A_179 = tpu.memref_slice %arg16[%mul3A_172] : memref<10000xf32, #tpu.memory_space<vmem_shared>> -> memref<1000xf32, #tpu.memory_space<vmem_shared>>
        %dma_start3A_180 = tpu.memref_slice %arg16[%mul3A_172] : memref<10000xf32, #tpu.memory_space<vmem_shared>> -> memref<1000xf32, #tpu.memory_space<vmem_shared>>
        tpu.enqueue_dma source(%dma_start3A_180 : memref<1000xf32, #tpu.memory_space<vmem_shared>>) target(%arg13 : memref<1000xf32, #tpu.memory_space<vmem>>) target_semaphore(%run_scoped3A_178 : memref<!tpu.dma_semaphore, #tpu.memory_space<semaphore_mem>>)
        %dma_wait3A = tpu.memref_slice %arg16[%mul3A_172] : memref<10000xf32, #tpu.memory_space<vmem_shared>> -> memref<1000xf32, #tpu.memory_space<vmem_shared>>
        %dma_wait3A_181 = tpu.memref_slice %arg16[%mul3A_172] : memref<10000xf32, #tpu.memory_space<vmem_shared>> -> memref<1000xf32, #tpu.memory_space<vmem_shared>>
        tpu.wait_dma2 semaphore(%run_scoped3A_178 : memref<!tpu.dma_semaphore, #tpu.memory_space<semaphore_mem>>) src(%dma_wait3A_181 : memref<1000xf32, #tpu.memory_space<vmem_shared>>) dst(%arg13 : memref<1000xf32, #tpu.memory_space<vmem>>)
        tpu.yield
      }) : () -> ()
      %mul3A_173 = arith.constant 10000 : i32
      %mul3A_174 = arith.muli %arg0, %mul3A_173 : i32
      %mul3A_175 = arith.constant 1000 : i32
      %mul3A_176 = arith.muli %arg1, %mul3A_175 : i32
      %add3A_177 = arith.addi %mul3A_174, %mul3A_176 : i32
      "tpu.region"() ({
        %run_scoped3A_178 = tpu.sem_alloc : memref<!tpu.dma_semaphore, #tpu.memory_space<semaphore_mem>>
        %dma_start3A_179 = tpu.memref_slice %arg5[%add3A_177] : memref<20000xf32, #tpu.memory_space<hbm>> -> memref<1000xf32, #tpu.memory_space<hbm>>
        %dma_start3A_180 = tpu.memref_slice %arg5[%add3A_177] : memref<20000xf32, #tpu.memory_space<hbm>> -> memref<1000xf32, #tpu.memory_space<hbm>>
        tpu.enqueue_dma source(%arg13 : memref<1000xf32, #tpu.memory_space<vmem>>) target(%dma_start3A_180 : memref<1000xf32, #tpu.memory_space<hbm>>) target_semaphore(%run_scoped3A_178 : memref<!tpu.dma_semaphore, #tpu.memory_space<semaphore_mem>>)
        %dma_wait3A = tpu.memref_slice %arg5[%add3A_177] : memref<20000xf32, #tpu.memory_space<hbm>> -> memref<1000xf32, #tpu.memory_space<hbm>>
        %dma_wait3A_181 = tpu.memref_slice %arg5[%add3A_177] : memref<20000xf32, #tpu.memory_space<hbm>> -> memref<1000xf32, #tpu.memory_space<hbm>>
        tpu.wait_dma2 semaphore(%run_scoped3A_178 : memref<!tpu.dma_semaphore, #tpu.memory_space<semaphore_mem>>) src(%arg13 : memref<1000xf32, #tpu.memory_space<vmem>>) dst(%dma_wait3A_181 : memref<1000xf32, #tpu.memory_space<hbm>>)
        tpu.yield
      }) : () -> ()
    } else {
    }
    return
  }
}

module attributes {stable_mosaic.version = 14 : i64} {
  func.func @_combine_body(%arg0: i32, %arg1: memref<2x1000x128xf32, #tpu.memory_space<vmem>>, %arg2: memref<2x1000x1xf32, #tpu.memory_space<vmem>>, %arg3: memref<1000x128xf32, #tpu.memory_space<vmem>>) attributes {dimension_semantics = [#tpu.dimension_semantics<arbitrary>], iteration_bounds = array<i64: 10>, scalar_prefetch = 0 : i64, scratch_operands = 0 : i64, tpu.core_type = #tpu.core_type<tc>, window_params = [{transform_indices = @transform_0, window_bounds = array<i64: 2, 1000, 128>}, {transform_indices = @transform_1, window_bounds = array<i64: 2, 1000, 1>}, {transform_indices = @transform_2, window_bounds = array<i64: 1000, 128>}]} {
    %get3A = arith.constant 0 : index
    %get3A_0 = arith.constant 0 : index
    %get3A_1 = arith.constant 0 : index
    %get3A_2 = vector.load %arg1[%get3A, %get3A_0, %get3A_1] : memref<2x1000x128xf32, #tpu.memory_space<vmem>>, vector<1x1000x128xf32>
    %get3A_3 = vector.shape_cast %get3A_2 : vector<1x1000x128xf32> to vector<1000x128xf32>
    %get3A_4 = arith.constant 1 : index
    %get3A_5 = arith.constant 0 : index
    %get3A_6 = arith.constant 0 : index
    %get3A_7 = vector.load %arg1[%get3A_4, %get3A_5, %get3A_6] : memref<2x1000x128xf32, #tpu.memory_space<vmem>>, vector<1x1000x128xf32>
    %get3A_8 = vector.shape_cast %get3A_7 : vector<1x1000x128xf32> to vector<1000x128xf32>
    %add3A = arith.addf %get3A_3, %get3A_8 : vector<1000x128xf32>
    %get3A_9 = arith.constant 0 : index
    %get3A_10 = arith.constant 0 : index
    %get3A_11 = arith.constant 0 : index
    %get3A_12 = vector.load %arg2[%get3A_9, %get3A_10, %get3A_11] : memref<2x1000x1xf32, #tpu.memory_space<vmem>>, vector<1x1000x1xf32>
    %get3A_13 = vector.shape_cast %get3A_12 : vector<1x1000x1xf32> to vector<1000x1xf32>
    %get3A_14 = arith.constant 1 : index
    %get3A_15 = arith.constant 0 : index
    %get3A_16 = arith.constant 0 : index
    %get3A_17 = vector.load %arg2[%get3A_14, %get3A_15, %get3A_16] : memref<2x1000x1xf32, #tpu.memory_space<vmem>>, vector<1x1000x1xf32>
    %get3A_18 = vector.shape_cast %get3A_17 : vector<1x1000x1xf32> to vector<1000x1xf32>
    %add3A_19 = arith.addf %get3A_13, %get3A_18 : vector<1000x1xf32>
    %gt3A = arith.constant 0.000000e+00 : f32
    %gt3A_20 = vector.broadcast %gt3A : f32 to vector<1000x1xf32>
    %gt3A_21 = arith.cmpf ogt, %add3A_19, %gt3A_20 : vector<1000x1xf32>
    %jit3A = arith.constant 1.000000e+00 : f32
    %broadcast_in_dim3A = vector.broadcast %jit3A : f32 to vector<1000x1xf32>
    %select_n3A = arith.select %gt3A_21, %add3A_19, %broadcast_in_dim3A : vector<1000x1xi1>, vector<1000x1xf32>
    %gt3A_22 = arith.constant 0.000000e+00 : f32
    %gt3A_23 = vector.broadcast %gt3A_22 : f32 to vector<1000x1xf32>
    %gt3A_24 = arith.cmpf ogt, %add3A_19, %gt3A_23 : vector<1000x1xf32>
    %div3A = vector.broadcast %select_n3A : vector<1000x1xf32> to vector<1000x128xf32>
    %div3A_25 = arith.divf %add3A, %div3A : vector<1000x128xf32>
    %jit3A_26 = arith.constant 0.000000e+00 : f32
    %broadcast_in_dim3A_27 = vector.shape_cast %gt3A_24 : vector<1000x1xi1> to vector<1000x1xi1>
    %broadcast_in_dim3A_28 = vector.broadcast %broadcast_in_dim3A_27 : vector<1000x1xi1> to vector<1000x128xi1>
    %broadcast_in_dim3A_29 = vector.broadcast %jit3A_26 : f32 to vector<1000x128xf32>
    %select_n3A_30 = arith.select %broadcast_in_dim3A_28, %div3A_25, %broadcast_in_dim3A_29 : vector<1000x128xi1>, vector<1000x128xf32>
    %max3A = arith.constant 0.000000e+00 : f32
    %max3A_31 = vector.broadcast %max3A : f32 to vector<1000x128xf32>
    %max3A_32 = arith.maximumf %select_n3A_30, %max3A_31 : vector<1000x128xf32>
    %swap3A = arith.constant 0 : index
    %swap3A_33 = arith.constant 0 : index
    %swap3A_34 = vector.load %arg3[%swap3A, %swap3A_33] : memref<1000x128xf32, #tpu.memory_space<vmem>>, vector<1000x128xf32>
    tpu.vector_store %arg3[%swap3A, %swap3A_33], %max3A_32 {strides = array<i32>} : memref<1000x128xf32, #tpu.memory_space<vmem>>, vector<1000x128xf32>,
    return
  }
  func.func @transform_0(%arg0: i32) -> (i32, i32, i32) {
    %c0_i32 = arith.constant 0 : i32
    %c0_i32_0 = arith.constant 0 : i32
    %c0_i32_1 = arith.constant 0 : i32
    return %c0_i32, %arg0, %c0_i32_0 : i32, i32, i32
  }
  func.func @transform_1(%arg0: i32) -> (i32, i32, i32) {
    %c0_i32 = arith.constant 0 : i32
    %c0_i32_0 = arith.constant 0 : i32
    %c0_i32_1 = arith.constant 0 : i32
    return %c0_i32, %arg0, %c0_i32_0 : i32, i32, i32
  }
  func.func @transform_2(%arg0: i32) -> (i32, i32) {
    %c0_i32 = arith.constant 0 : i32
    %c0_i32_0 = arith.constant 0 : i32
    return %arg0, %c0_i32 : i32, i32
  }
}

</mosaic_0001>

<sc_bundles>
// kernel: kernel.4.cloned.1.call-start
scs
__scs_entry_jumppad:
0x0: {  	(pc) =	sbr.rel $0x88, $3  }
0x1: {  	(tag) =	ssettag $0x0;
	lr =	simm.s32 $0x1  }
0x2: {  	[smem:$0x3F9F] =	sst lr;
	_ =	strace $0xD0000000  }
0x3: {  	_ = 	snop  }
0x4: {  	_ = 	snop  }
0x5: {  	_ = 	snop  }
0x6: {  	_ = 	snop  }
0x7: {  	_ = 	snop  }
__scs_overlays_trampoline_lowered:
0x8: {  	[smem:$0x3FAE] =	sst s0  }
0x9: {  	[smem:$0x3FAF] =	sst s1  }
0xa: {  	[smem:$0x3FB0] =	sst s2  }
0xb: {  	[smem:$0x3FB1] =	sst s3  }
0xc: {  	[smem:$0x3FB2] =	sst s4  }
0xd: {  	[smem:$0x3FB3] =	sst s5  }
0xe: {  	[smem:$0x3FB4] =	sst s6  }
0xf: {  	[smem:$0x3FB5] =	sst s7  }
0x10: {  	[smem:$0x3FB6] =	sst s8  }
0x11: {  	[smem:$0x3FB7] =	sst s9;
	s0 =	simm.s32 @!p0 $0x0  }
0x12: {  	s1 =	sld [smem:$0x3F9D];
	s0 =	simm.s32 @p0 $0x1  }
0x13: {  	[smem:$0x3FB8] =	sst s0;
	s0 =	simm.s32 @!p1 $0x0  }
0x14: {  	s2 =	sld [smem:$0x3F9C];
	s0 =	simm.s32 @p1 $0x1  }
0x15: {  	[smem:$0x3FB9] =	sst s0;
	s0 =	simm.s32 @!p2 $0x0  }
0x16: {  	s3 =	sld [smem:$0x3FDB];
	s0 =	simm.s32 @p2 $0x1  }
0x17: {  	s4 =	simm.s32 $0x1BF5;
	[smem:$0x3FBB] =	sst s0  }
0x18: {  	s0 =	sld [smem:$0x3F9E];
	_ =	swait.ge [sflag:s4], $0x0  }
0x19: {  	s7 =	sld [smem:$0x3F9F]  }
0x1a: {  	s8 =	sadd.s32 $0xFFFFE003, lr  }
0x1b: {  	s9 =	sadd.s32 $0xFFFFFEF7, lr;
	s5 =	simm.s32 $0xFFFFFFFF;
	p2 =	slt.u32 s8, $0xFFFFF086  }
0x1c: {  	p1 =	slt.u32 s9, $0xF7A;
	s5 =	simm.s32 @!p2 $0x0  }
0x1d: {  	s5 =	simm.s32 @p1 $0x1;
	p0 =	seq.s32 s7, s2  }
0x1e: {  	s7 =	smul.u32 @!p0 $0xF7A, s2;
	p2 =	seq.s32 @!p0 s5, $0x0  }
0x1f: {  	s9 =	smul.u32 $0xF7A, s1;
	s8 =	simm.s32 @!p0 $0x1BF5;
	p2 =	por !p2, p0  }
0x20: {  	[sflag:s8] =	ssyncset.s32 @!p0 $0xFFFFF086;
	s6 =	sadd.s32 @!p0 s3, s7;
	s7 =	simm.s32 @!p0 $0x108  }
0x21: {  	s3 =	sadd.s32 s3, s9;
	s6 =	sadd.s32 @!p0 $0x88, s6;
	s7 =	simm.s32 @p2 $0x1082  }
0x22: {  	[simem:s7], [sflag:s8] =	dma.local @!p0 [hbm:s6], $0xF7A  }
0x23: {  	s9 =	sor.u32 $0xD0000000, s2;
	s6 =	simm.s32 $0x108;
	_ =	swait.ge @!p0 [sflag:s8], $0x0  }
0x24: {  	s3 =	sadd.s32 $0x88, s3;
	s6 =	simm.s32 @!p1 $0x1082;
	[sflag:s4] =	ssyncset.s32 $0xFFFFF086  }
0x25: {  	[simem:s6], [sflag:s4] =	dma.local [hbm:s3], $0xF7A  }
0x26: {  	[smem:$0x3F9F] =	sst s1;
	(tag) =	ssettag s2;
	_ =	strace s9  }
0x27: {  	s1 =	sld [smem:$0x3FAF]  }
0x28: {  	s2 =	sld [smem:$0x3FB0]  }
0x29: {  	s4 =	sld [smem:$0x3FB2]  }
0x2a: {  	p0 =	seq.s32 s5, $0x0;
	s5 =	sld [smem:$0x3FB3]  }
0x2b: {  	s6 =	sld [smem:$0x3FB4]  }
0x2c: {  	s7 =	sld [smem:$0x3FB5]  }
0x2d: {  	s3 =	simm.s32 $0x108;
	s8 =	sld [smem:$0x3FB6]  }
0x2e: {  	s3 =	simm.s32 @!p0 $0x1082;
	s9 =	sld [smem:$0x3FB7]  }
0x2f: {  	lr =	sadd.s32 s0, s3;
	s0 =	sld [smem:$0x3FAE]  }
0x30: {  	s3 =	sld [smem:$0x3FB1]  }
0x31: {  	[smem:$0x3FBA] =	sst s10  }
0x32: {  	s10 =	sld [smem:$0x3FB8];
	_ =	sdelay $0x3  }
0x33: {  	p0 =	seq.s32 s10, $0x1;
	s10 =	sld [smem:$0x3FBA];
	_ =	sdelay $0x3  }
0x34: {  	[smem:$0x3FBA] =	sst s10  }
0x35: {  	s10 =	sld [smem:$0x3FB9];
	_ =	sdelay $0x3  }
0x36: {  	p1 =	seq.s32 s10, $0x1;
	s10 =	sld [smem:$0x3FBA];
	_ =	sdelay $0x3  }
0x37: {  	[smem:$0x3FBA] =	sst s10  }
0x38: {  	s10 =	sld [smem:$0x3FBB]  }
0x39: {  	_ = 	snop;
	(pc) =	sbr.ind lr, $3  }
0x3a: {  	_ = 	snop  }
0x3b: {  	_ = 	snop  }
0x3c: {  	p2 =	seq.s32 s10, $0x1;
	s10 =	sld [smem:$0x3FBA]  }
0x3d: {  	_ =	shalt  }
0x3e: {  	_ =	shalt  }
0x3f: {  	_ =	shalt  }
0x40: {  	_ =	shalt  }
0x41: {  	_ =	shalt  }
0x42: {  	_ =	shalt  }
0x43: {  	_ =	shalt  }
0x44: {  	_ =	shalt  }
0x45: {  	_ =	shalt  }
0x46: {  	_ =	shalt  }
0x47: {  	_ =	shalt  }
0x48: {  	_ =	shalt  }
0x49: {  	_ =	shalt  }
0x4a: {  	_ =	shalt  }
0x4b: {  	_ =	shalt  }
0x4c: {  	_ =	shalt  }
0x4d: {  	_ =	shalt  }
0x4e: {  	_ =	shalt  }
0x4f: {  	_ =	shalt  }
0x50: {  	_ =	shalt  }
0x51: {  	_ =	shalt  }
0x52: {  	_ =	shalt  }
0x53: {  	_ =	shalt  }
0x54: {  	_ =	shalt  }
0x55: {  	_ =	shalt  }
0x56: {  	_ =	shalt  }
0x57: {  	_ =	shalt  }
0x58: {  	_ =	shalt  }
0x59: {  	_ =	shalt  }
0x5a: {  	_ =	shalt  }
0x5b: {  	_ =	shalt  }
0x5c: {  	_ =	shalt  }
0x5d: {  	_ =	shalt  }
0x5e: {  	_ =	shalt  }
0x5f: {  	_ =	shalt  }
0x60: {  	_ =	shalt  }
0x61: {  	_ =	shalt  }
0x62: {  	_ =	shalt  }
0x63: {  	_ =	shalt  }
0x64: {  	_ =	shalt  }
0x65: {  	_ =	shalt  }
0x66: {  	_ =	shalt  }
0x67: {  	_ =	shalt  }
0x68: {  	_ =	shalt  }
0x69: {  	_ =	shalt  }
0x6a: {  	_ =	shalt  }
0x6b: {  	_ =	shalt  }
0x6c: {  	_ =	shalt  }
0x6d: {  	_ =	shalt  }
0x6e: {  	_ =	shalt  }
0x6f: {  	_ =	shalt  }
0x70: {  	_ =	shalt  }
0x71: {  	_ =	shalt  }
0x72: {  	_ =	shalt  }
0x73: {  	_ =	shalt  }
0x74: {  	_ =	shalt  }
0x75: {  	_ =	shalt  }
0x76: {  	_ =	shalt  }
0x77: {  	_ =	shalt  }
0x78: {  	_ =	shalt  }
0x79: {  	_ =	shalt  }
0x7a: {  	_ =	shalt  }
0x7b: {  	_ =	shalt  }
0x7c: {  	_ =	shalt  }
0x7d: {  	_ =	shalt  }
0x7e: {  	_ =	shalt  }
0x7f: {  	_ =	shalt  }
0x80: {  	_ =	shalt  }
0x81: {  	_ =	shalt  }
0x82: {  	_ =	shalt  }
0x83: {  	_ =	shalt  }
0x84: {  	_ =	shalt  }
0x85: {  	_ =	shalt  }
0x86: {  	_ =	shalt  }
0x87: {  	_ =	shalt  }
.Lfunc_end0:
.L_simem_size_0:
called_computation_lowered:
.L_overlay_start_0:
0x88: {  	s2 =	sld [smem:$0x3FD9]  }
0x89: {  	s3 =	sld [smem:$0x3FFE];
	_ =	sdelay $0x1  }
0x8a: {  	s1 =	srdreg.scid  }
0x8b: {  	s0 =	sand.u32 $0x1, s1  }
0x8c: {  	s17 =	sshll.u32 s0, $0xA;
	s2 =	sadd.s32 s3, s2  }
0x8d: {  	s2 =	sadd.s32 s2, s17  }
0x8e: {  	[smem:$0x3FC6] =	sst s2  }
0x8f: {  	_ = 	snop  }
0x90: {  	s2 =	sld [smem:$0x3FC9]  }
0x91: {  	s18 =	sld [smem:$0x3FD0];
	(tm) =	ssettm $0x1  }
0x92: {  	s4 =	sld [smem:$0x3FFB];
	_ =	sdelay $0x3  }
0x93: {  	_ =	strace s4  }
0x94: {  	s4 =	sld [smem:$0x3FFC];
	_ =	sdelay $0x3  }
0x95: {  	_ =	strace s4  }
0x96: {  	s4 =	sld [smem:$0x3FFD];
	_ =	sdelay $0x3  }
0x97: {  	_ =	strace s4  }
0x98: {  	_ =	strace $0x8FFFFFFF  }
0x99: {  	s19 =	sld [smem:$0x3FDB];
	_ =	sdelay $0x1  }
0x9a: {  	s5 =	simm.s32 $_scs_section_size  }
0x9b: {  	s6 =	simm.s32 $_size__tile_overlayer_lowered;
	s7 =	simm.s32 $_tile_overlayer_lowered  }
0x9c: {  	s22 =	simm.s32 $0x1BFF;
	s21 =	sshll.u32 s7, $0x1;
	s4 =	sadd.s32 s5, s19  }
0x9d: {  	s8 =	simm.s32 $0x0;
	s20 =	sshll.u32 s6, $0x1;
	s6 =	sadd.s32 s21, s4  }
0x9e: {  	[timem:s8], [sflag:s22] =	dma.local [hbm:s6], s20  }
0x9f: {  	_ =	swait.ge [sflag:s22], s20  }
0xa0: {  	s5 =	ssub.s32 $0x0, s20;
	[sflag:s22] =	ssyncset.done $0x0  }
0xa1: {  	[sflag:s22] =	ssyncadd.s32 s5;
	_ =	sdelay $0x1  }
0xa2: {  	s23 =	simm.s32 $0x1B8B  }
0xa3: {  	_ =	swait.ge [sflag:s23], $0x1  }
0xa4: {  	[sflag:s23] =	ssyncset.done $0x0  }
0xa5: {  	s25 =	simm.s32 $0x1B8E;
	s24 =	sld [smem:$0x3FFE];
	[sflag:s23] =	ssyncadd.s32 $0xFFFFFFFF  }
0xa6: {  	s26 =	simm.s32 $execute0_lowered;
	[smem:$0x3FD2] =	sst s25  }
0xa7: {  	s6 =	sshll.u32 s26, $0x1;
	_ =	strace $0x80000046;
	[dreg:$0x1] =	wrdreg $0xFFFFFFFF  }
0xa8: {  	s28 =	simm.s32 $_size_execute0_lowered;
	s4 =	sadd.s32 s4, s6;
	[dreg:$0x0] =	wrdreg $0x0  }
0xa9: {  	s6 =	sshll.u32 s28, $0x1;
	[dreg:$0x2] =	wrdreg s4  }
0xaa: {  	[dreg:$0x3] =	wrdreg s6  }
0xab: {  	[dreg:$0x4] =	wrdreg $0xC0  }
0xac: {  	_ =	task [dreg:s8], $0x5FFFF  }
0xad: {  	[dreg:$0x1] =	wrdreg $0xFFFFFFFF  }
0xae: {  	[dreg:$0x0] =	wrdreg $0x60  }
0xaf: {  	[dreg:$0x2] =	wrdreg s2  }
0xb0: {  	[dreg:$0x3] =	wrdreg s18  }
0xb1: {  	[dreg:$0x4] =	wrdreg s24  }
0xb2: {  	[dreg:$0x5] =	wrdreg $0xA7000  }
0xb3: {  	[dreg:$0x6] =	wrdreg $0x1DF800  }
0xb4: {  	[dreg:$0x7] =	wrdreg $0x9  }
0xb5: {  	_ =	task.clear_ibuf [dreg:s8], $0x8FFFF;
	_ =	strace $0x90000046  }
0xb6: {  	s29 =	simm.s32 $0x9;
	_ =	strace $0x80000048  }
0xb7: {  	_ =	swait.ge [sflag:s29], $0x1  }
0xb8: {  	[sflag:s29] =	ssyncadd.s32 $0xFFFFFFFF  }
0xb9: {  	_ =	strace $0x90000048  }
0xba: {  	_ =	sfence  }
0xbb: {  	s30 =	sld [smem:$0x0];
	_ =	sdelay $0x2  }
0xbc: {  	s31 =	sshll.u32 s1, $0xD;
	s1 =	sshrl.u32 s1, $0x2  }
0xbd: {  	s3 =	sand.u32 $0x4000, s31;
	s1 =	sadd.s32 s1, s30  }
0xbe: {  	s0 =	sor.u32 s3, s0;
	s1 =	sshll.u32 s1, $0x11  }
0xbf: {  	s0 =	sor.u32 s1, s0  }
0xc0: {  	s0 =	sadd.s32 $0x8F2B, s0  }
0xc1: {  	[sflag:s0] =	ssyncadd.remote.s32 $0x1  }
0xc2: {  	_ =	sfence.sel $0xFFFF  }
0xc3: {  	[dreg:$0x0] =	wrdreg $0xFFFFFFFF;
	(pc) =	sbr.abs _section_cstart, $3  }
0xc4: {  	[dreg:$0x1] =	wrdreg $0xFFFFFFFF  }
0xc5: {  	_ =	task.clear_ibuf [dreg:s8], $0x2FFFF;
	_ =	strace $0x9FFFFFFF  }
0xc6: {  	(tm) =	ssettm $0x7FFFFFFF  }
0xc7: {  	_ =	shalt  }
tec
execute0_lowered:
.L_overlay_start_1:
0x0: {  	(tag) =	ssettag $0x1  }
0x1: {  	s0 =	srdreg.scid;
	s25 =	stileid.u32  }
0x2: {  	s6 =	sand.u32 $0x1, s0;
	s0 =	smul.u32 $0x3E8, s25  }
0x3: {  	s10 =	smul.u32 $0x2800, s25  }
0x4: {  	s1 =	rddreg [dreg:$0x0];
	s5 =	smul.u32 $0x2710, s6  }
0x5: {  	s2 =	rddreg [dreg:$0x1];
	s9 =	sor.u32 $0x10, s25;
	s8 =	smul.u32 $0x138800, s6  }
0x6: {  	s7 =	rddreg [dreg:$0x2];
	s11 =	sor.u32 $0x20, s25;
	s12 =	smul.u32 $0x2800, s9  }
0x7: {  	s3 =	rddreg [dreg:$0x3];
	s15 =	sor.u32 $0x30, s25;
	s14 =	smul.u32 $0x2800, s11  }
0x8: {  	s4 =	simm.s32 $0x0;
	s16 =	sor.u32 $0x40, s25;
	s17 =	smul.u32 $0x2800, s15  }
0x9: {  	s28 =	simm.s32 $0x6;
	s19 =	sor.u32 $0x50, s25;
	s20 =	smul.u32 $0x2800, s16  }
0xa: {  	[smem:$0x7FF] =	sst s4;
	s22 =	sor.u32 $0x70, s25;
	s21 =	smul.u32 $0x2800, s19  }
0xb: {  	s30 =	sshll.u32 s25, $0x1;
	p0 =	sgt.u32 s25, $0xC;
	s24 =	smul.u32 $0x2800, s22  }
0xc: {  	s26 =	ssub.s32 $0x2, s6;
	s9 =	smul.u32 $0xA000, s9;
	p2 =	sgt.u32 @!p0 s25, $0x9  }
0xd: {  	s18 =	sshrl.u32 s26, $0x1;
	p1 =	por p2, p0;
	p2 =	por !p2, p0  }
0xe: {  	s5 =	sadd.s32 s0, s5;
	s10 =	sadd.s32 s10, s8;
	s12 =	sadd.s32 s8, s12  }
0xf: {  	s14 =	sadd.s32 s8, s14;
	s17 =	sadd.s32 s8, s17;
	s20 =	sadd.s32 s8, s20  }
0x10: {  	s21 =	sadd.s32 s8, s21;
	s9 =	sshrl.u32 s9, $0x2;
	s13 =	sshrl.u32 s5, $0x3  }
0x11: {  	s5 =	ssub.s32 s26, s18;
	s18 =	sor.u32 $0x60, s25;
	s10 =	sshrl.u32 s10, $0x3  }
0x12: {  	s26 =	sshrl.u32 s17, $0x3;
	s17 =	sshrl.u32 s21, $0x3;
	s21 =	smul.u32 $0xFA00, s25  }
0x13: {  	s12 =	sshrl.u32 s12, $0x3;
	s14 =	sshrl.u32 s14, $0x3;
	s23 =	smul.u32 $0x2800, s18  }
0x14: {  	s13 =	sadd.s32 s13, s7;
	s7 =	sadd.s32 $0x1400, s7;
	s5 =	smax.u32 s5, $0x1  }
0x15: {  	s10 =	sadd.s32 s7, s10;
	s12 =	sadd.s32 s7, s12;
	s23 =	sadd.s32 s8, s23  }
0x16: {  	s8 =	sadd.s32 s8, s24;
	s24 =	sor.u32 s6, s30;
	[dreg:$0x6] =	wrdreg s10  }
0x17: {  	[dreg:$0x7] =	wrdreg s12;
	s10 =	sadd.s32 s7, s14;
	s6 =	smul.u32 $0x7D00, s6  }
0x18: {  	s30 =	sshrl.u32 s20, $0x3;
	s20 =	sshrl.u32 s23, $0x3;
	s23 =	smul.u32 $0xA000, s25  }
0x19: {  	[dreg:$0x8] =	wrdreg s10;
	s10 =	sadd.s32 s7, s26;
	s26 =	smul.u32 $0xA000, s11  }
0x1a: {  	s14 =	sadd.s32 s7, s30;
	s30 =	smul.u32 $0xA000, s15;
	[dreg:$0x9] =	wrdreg s10  }
0x1b: {  	s8 =	sshrl.u32 s8, $0x3;
	s11 =	smul.u32 $0xA000, s16;
	[dreg:$0xa] =	wrdreg s14  }
0x1c: {  	s15 =	smul.u32 $0xA000, s19;
	s10 =	sadd.s32 s7, s17;
	s14 =	rddreg [dreg:$0x4]  }
0x1d: {  	s6 =	sadd.s32 s6, s21;
	s17 =	smul.u32 $0xA000, s18;
	[dreg:$0xb] =	wrdreg s10  }
0x1e: {  	s10 =	sadd.s32 s7, s20;
	s7 =	sadd.s32 s7, s8;
	s12 =	sshrl.u32 s26, $0x2  }
0x1f: {  	s16 =	sshrl.u32 s30, $0x2;
	s21 =	sshrl.u32 s11, $0x2;
	s26 =	sshrl.u32 s15, $0x2  }
0x20: {  	s30 =	smul.u32 $0xFA0, s25;
	s0 =	sadd.s32 s0, s14;
	[dreg:$0xc] =	wrdreg s10  }
0x21: {  	s25 =	simm.s32 $0x1;
	[dreg:$0xd] =	wrdreg s7;
	s7 =	sshrl.u32 s23, $0x2  }
0x22: {  	s18 =	sadd.s32 s16, s3;
	s23 =	smul.u32 $0xA000, s22;
	s19 =	sadd.s32 s21, s3  }
0x23: {  	s20 =	sadd.s32 s26, s3;
	s11 =	sshrl.u32 s17, $0x2;
	s26 =	sadd.s32 $0x200, s6  }
0x24: {  	s10 =	simm.s32 $0x3;
	_ =	strace $0x80000047;
	[dreg:$0x12] =	wrdreg s0  }
0x25: {  	s31 =	sadd.s32 s7, s3;
	s7 =	sadd.s32 s9, s3;
	[dreg:$0x14] =	wrdreg s5  }
0x26: {  	s21 =	sadd.s32 s11, s3;
	s8 =	sshrl.u32 s30, $0x2;
	[dreg:$0x15] =	wrdreg s26  }
0x27: {  	s9 =	simm.s32 $0x2A00;
	s11 =	simm.s32 $0x5;
	s26 =	simm.s32 $0x4  }
0x28: {  	s5 =	simm.s32 $0x0;
	[dreg:$0xe] =	wrdreg s7;
	s7 =	sadd.s32 s12, s3  }
0x29: {  	s12 =	smul.u32 $0x7D00, s24;
	s15 =	sshrl.u32 s23, $0x2;
	s16 =	sadd.s32 s8, s14  }
0x2a: {  	s23 =	sadd.s32 $0x300, s6;
	s24 =	sadd.s32 $0xA00, s13;
	s6 =	simm.s32 $0x50  }
0x2b: {  	s8 =	simm.s32 $0x5200;
	s13 =	simm.s32 $0xA680;
	[dreg:$0xf] =	wrdreg s7  }
.Ltmp0:
0x2c: {  	s22 =	sadd.s32 s15, s3;
	[dreg:$0x10] =	wrdreg s16;
	(pc) =	sbr.rel .LBB2_1-.Ltmp0, $4  }
0x2d: {  	[dreg:$0x13] =	wrdreg s24;
	s0 =	sshrl.u32 s23, $0x3;
	s17 =	sshrl.u32 s12, $0x3  }
0x2e: {  	s23 =	simm.s32 $0xA200;
	s29 =	sadd.s32 s0, s2;
	s7 =	sadd.s32 s2, s17  }
0x2f: {  	s12 =	simm.s32 $0x200;
	[dreg:$0x11] =	wrdreg s7;
	s30 =	sadd.s32 $0x20, s7  }
0x30: {  	v0 =	vimm.f32 $0.0e+00;
	s0 =	simm.s32 $0x7;
	s7 =	simm.s32 $0x80;
	[dreg:$0x16] =	wrdreg s30  }
.LBB2_8:
0x31: {  	s15 =	stileid.u32  }
0x32: {  	[bflag:$0x0] =	sbarrier.arrive $0xFFFF;
	s15 =	sshll.u32 s15, $0x6  }
0x33: {  	s16 =	sshrl.u32 s17, $0x3;
	s24 =	rddreg [dreg:$0x6];
	s15 =	sor.u32 $0x1C07, s15  }
0x34: {  	[hbm:s24], [sflag:s15] =	dma.local [spmem:s16], $0x500  }
0x35: {  	_ =	swait.ge [sflag:s0], $0x500  }
0x36: {  	s31 =	smov.u32 s17;
	[sflag:s0] =	ssyncset.done $0x0;
	s30 =	rddreg [dreg:$0xe]  }
0x37: {  	s17 =	rddreg [dreg:$0x7];
	[sflag:s0] =	ssyncadd.s32 $0xFFFFFB00;
	s16 =	sshrl.u32 s30, $0x3  }
0x38: {  	[hbm:s17], [sflag:s15] =	dma.local [spmem:s16], $0x500  }
0x39: {  	_ =	swait.ge [sflag:s0], $0x500  }
0x3a: {  	[sflag:s0] =	ssyncset.done $0x0;
	s30 =	rddreg [dreg:$0xf]  }
0x3b: {  	s17 =	rddreg [dreg:$0x8];
	[sflag:s0] =	ssyncadd.s32 $0xFFFFFB00;
	s16 =	sshrl.u32 s30, $0x3  }
0x3c: {  	[hbm:s17], [sflag:s15] =	dma.local [spmem:s16], $0x500  }
0x3d: {  	_ =	swait.ge [sflag:s0], $0x500  }
0x3e: {  	[sflag:s0] =	ssyncset.done $0x0  }
0x3f: {  	s30 =	sshrl.u32 s18, $0x3;
	s17 =	rddreg [dreg:$0x9];
	[sflag:s0] =	ssyncadd.s32 $0xFFFFFB00  }
0x40: {  	[hbm:s17], [sflag:s15] =	dma.local [spmem:s30], $0x500  }
0x41: {  	_ =	swait.ge [sflag:s0], $0x500  }
0x42: {  	[sflag:s0] =	ssyncset.done $0x0  }
0x43: {  	s30 =	sshrl.u32 s19, $0x3;
	s17 =	rddreg [dreg:$0xa];
	[sflag:s0] =	ssyncadd.s32 $0xFFFFFB00  }
0x44: {  	[hbm:s17], [sflag:s15] =	dma.local [spmem:s30], $0x500  }
0x45: {  	_ =	swait.ge [sflag:s0], $0x500  }
0x46: {  	[sflag:s0] =	ssyncset.done $0x0  }
0x47: {  	s30 =	sshrl.u32 s20, $0x3;
	s17 =	rddreg [dreg:$0xb];
	[sflag:s0] =	ssyncadd.s32 $0xFFFFFB00  }
0x48: {  	[hbm:s17], [sflag:s15] =	dma.local [spmem:s30], $0x500  }
0x49: {  	_ =	swait.ge [sflag:s0], $0x500  }
0x4a: {  	[sflag:s0] =	ssyncset.done $0x0  }
0x4b: {  	s30 =	sshrl.u32 s21, $0x3;
	s17 =	rddreg [dreg:$0xc];
	[sflag:s0] =	ssyncadd.s32 $0xFFFFFB00  }
0x4c: {  	[hbm:s17], [sflag:s15] =	dma.local [spmem:s30], $0x500  }
0x4d: {  	_ =	swait.ge [sflag:s0], $0x500  }
0x4e: {  	[sflag:s0] =	ssyncset.done $0x0  }
0x4f: {  	s16 =	sshrl.u32 @!p0 s22, $0x3;
	s24 =	rddreg [dreg:$0xd];
	[sflag:s0] =	ssyncadd.s32 $0xFFFFFB00  }
0x50: {  	[hbm:s24], [sflag:s15] =	dma.local @!p0 [spmem:s16], $0x500  }
0x51: {  	s15 =	simm.s32 @!p0 $0x7  }
0x52: {  	_ =	swait.ge @!p0 [sflag:s15], $0x500  }
0x53: {  	[sflag:s15] =	ssyncset.done @!p0 $0x0  }
0x54: {  	s16 =	rddreg [dreg:$0x12];
	[sflag:s15] =	ssyncadd.s32 @!p0 $0xFFFFFB00;
	s15 =	simm.s32 @p3 $0xA280  }
0x55: {  	[tilespmem:s15], [sflag:$0x7] =	stream.linear.gather @p3 [spmem:s16], $0x3E8, $0x38;
	[tilespmem:$0x1E1F8] =	vst v63  }
0x56: {  	s16 =	simm.s32 @p3 $0x7  }
0x57: {  	_ =	swait.ge @p3 [sflag:s16], $0x3E8  }
0x58: {  	[sflag:s16] =	ssyncset.done @p3 $0x0  }
0x59: {  	s24 =	simm.s32 @p3 $0x0;
	s17 =	rddreg [dreg:$0x13];
	[sflag:s16] =	ssyncadd.s32 @p3 $0xFFFFFC18  }
0x5a: {  	[hbm4b:s17+s24] =	stream.linear.scatter @p3 [tilespmem:s15], [sflag:$0x7], $0x3E8, $0x38;
	[tilespmem:$0x1E1F8] =	vst v63  }
0x5b: {  	_ =	swait.ge @p3 [sflag:s16], $0x3E8  }
0x5c: {  	s5 =	sadd.s32 $0x1, s5;
	s30 =	rddreg [dreg:$0x14]  }
0x5d: {  	p4 =	sne.s32 s5, s30  }
.Ltmp1:
0x5e: {  	_ = 	snop;
	(pc) =	sbr.rel @!p4 .LBB2_9-.Ltmp1, $3  }
0x5f: {  	_ =	sdelay $0x1  }
0x60: {  	[sflag:s16] =	ssyncset.done @p3 $0x0  }
0x61: {  	[sflag:s16] =	ssyncadd.s32 @p3 $0xFFFFFC18  }
.LBB2_1:
0x62: {  	s24 =	simm.s32 $0x0;
	s30 =	simm.s32 $0x200  }
.LBB2_2:
0x63: {  	p3 =	sne.s32 s30, $0x9E00;
	[tilespmem:s24+$0x270] =	vst v0  }
0x64: {  	[tilespmem:s24+$0x200] =	vst v0  }
0x65: {  	[tilespmem:s24+$0x210] =	vst v0  }
.Ltmp2:
0x66: {  	[tilespmem:s24+$0x220] =	vst v0;
	(pc) =	sbr.rel @p3 .LBB2_2-.Ltmp2, $4  }
0x67: {  	[tilespmem:s24+$0x230] =	vst v0  }
0x68: {  	[tilespmem:s24+$0x240] =	vst v0  }
0x69: {  	[tilespmem:s24+$0x250] =	vst v0  }
0x6a: {  	[tilespmem:s24+$0x260] =	vst v0;
	s24 =	sshra.s32 s30, $0x2;
	s30 =	sadd.s32 $0x200, s30  }
0x6b: {  	[tilespmem:s24+$0x270] =	vst v0  }
0x6c: {  	[tilespmem:s24+$0x200] =	vst v0  }
0x6d: {  	[tilespmem:s24+$0x210] =	vst v0  }
0x6e: {  	[tilespmem:s24+$0x220] =	vst v0  }
0x6f: {  	[tilespmem:s24+$0x230] =	vst v0  }
0x70: {  	[tilespmem:s24+$0x240] =	vst v0  }
0x71: {  	[tilespmem:s24+$0x250] =	vst v0  }
0x72: {  	[tilespmem:s24+$0x260] =	vst v0;
	s24 =	simm.s32 $0x40;
	s30 =	simm.s32 $0x0  }
.LBB2_4:
0x73: {  	p3 =	sne.s32 s24, $0xF40;
	[tilespmem:s30+$0xA280] =	vst v0;
	s30 =	smov.u32 s24;
	s24 =	sadd.s32 $0x40, s24  }
.Ltmp3:
0x74: {  	(pc) =	sbr.rel @p3 .LBB2_4-.Ltmp3, $2  }
0x75: {  	_ =	sdelay $0x2  }
0x76: {  	s30 =	sshra.s32 s30, $0x2  }
0x77: {  	[tilespmem:s30+$0xA280] =	vst v0  }
0x78: {  	[tilespmem:$0xA658] =	vst v0  }
0x79: {  	[spmem:s31] =	stream.linear.scatter [tilespmem:s12], [sflag:$0x7], $0x2800, $0x38;
	[tilespmem:$0x1E1F8] =	vst v63  }
0x7a: {  	_ =	swait.ge [sflag:s0], $0x2800  }
0x7b: {  	[sflag:s0] =	ssyncset.done $0x0  }
0x7c: {  	s15 =	rddreg [dreg:$0xe];
	[sflag:s0] =	ssyncadd.s32 $0xFFFFD800  }
0x7d: {  	[spmem:s15] =	stream.linear.scatter [tilespmem:s12], [sflag:$0x7], $0x2800, $0x38;
	[tilespmem:$0x1E1F8] =	vst v63  }
0x7e: {  	_ =	swait.ge [sflag:s0], $0x2800  }
0x7f: {  	[sflag:s0] =	ssyncset.done $0x0  }
0x80: {  	s17 =	smov.u32 s31;
	s31 =	rddreg [dreg:$0xf];
	[sflag:s0] =	ssyncadd.s32 $0xFFFFD800  }
0x81: {  	[spmem:s31] =	stream.linear.scatter [tilespmem:s12], [sflag:$0x7], $0x2800, $0x38;
	[tilespmem:$0x1E1F8] =	vst v63  }
0x82: {  	_ =	swait.ge [sflag:s0], $0x2800  }
0x83: {  	[sflag:s0] =	ssyncset.done $0x0  }
0x84: {  	[sflag:s0] =	ssyncadd.s32 $0xFFFFD800  }
0x85: {  	[spmem:s18] =	stream.linear.scatter [tilespmem:s12], [sflag:$0x7], $0x2800, $0x38;
	[tilespmem:$0x1E1F8] =	vst v63  }
0x86: {  	_ =	swait.ge [sflag:s0], $0x2800  }
0x87: {  	[sflag:s0] =	ssyncset.done $0x0  }
0x88: {  	[sflag:s0] =	ssyncadd.s32 $0xFFFFD800  }
0x89: {  	[spmem:s19] =	stream.linear.scatter [tilespmem:s12], [sflag:$0x7], $0x2800, $0x38;
	[tilespmem:$0x1E1F8] =	vst v63  }
0x8a: {  	_ =	swait.ge [sflag:s0], $0x2800  }
0x8b: {  	[sflag:s0] =	ssyncset.done $0x0  }
0x8c: {  	[sflag:s0] =	ssyncadd.s32 $0xFFFFD800  }
0x8d: {  	[spmem:s20] =	stream.linear.scatter [tilespmem:s12], [sflag:$0x7], $0x2800, $0x38;
	[tilespmem:$0x1E1F8] =	vst v63  }
0x8e: {  	_ =	swait.ge [sflag:s0], $0x2800  }
0x8f: {  	[sflag:s0] =	ssyncset.done $0x0  }
0x90: {  	[sflag:s0] =	ssyncadd.s32 $0xFFFFD800  }
0x91: {  	[spmem:s21] =	stream.linear.scatter [tilespmem:s12], [sflag:$0x7], $0x2800, $0x38;
	[tilespmem:$0x1E1F8] =	vst v63  }
0x92: {  	_ =	swait.ge [sflag:s0], $0x2800  }
0x93: {  	[sflag:s0] =	ssyncset.done $0x0  }
0x94: {  	s24 =	simm.s32 @!p0 $0x200;
	[sflag:s0] =	ssyncadd.s32 $0xFFFFD800  }
0x95: {  	[spmem:s22] =	stream.linear.scatter @!p0 [tilespmem:s24], [sflag:$0x7], $0x2800, $0x38;
	[tilespmem:$0x1E1F8] =	vst v63  }
0x96: {  	s24 =	simm.s32 @!p0 $0x7  }
0x97: {  	_ =	swait.ge @!p0 [sflag:s24], $0x2800  }
0x98: {  	[sflag:s24] =	ssyncset.done @!p0 $0x0  }
0x99: {  	s15 =	rddreg [dreg:$0x10];
	[sflag:s24] =	ssyncadd.s32 @!p0 $0xFFFFD800;
	s24 =	simm.s32 @!p1 $0xA280  }
0x9a: {  	[spmem:s15] =	stream.linear.scatter @!p1 [tilespmem:s24], [sflag:$0x7], $0x3E8, $0x38;
	[tilespmem:$0x1E1F8] =	vst v63  }
0x9b: {  	s24 =	simm.s32 @!p1 $0x7  }
0x9c: {  	_ =	swait.ge @!p1 [sflag:s24], $0x3E8  }
0x9d: {  	[sflag:s24] =	ssyncset.done @!p1 $0x0  }
0x9e: {  	[sflag:s24] =	ssyncadd.s32 @!p1 $0xFFFFFC18  }
0x9f: {  	[bflag:$0x0] =	sbarrier.arrive $0xFFFF  }
0xa0: {  	s24 =	simm.s32 $0x0;
	s16 =	rddreg [dreg:$0x11]  }
0xa1: {  	[tilespmem:s24], [sflag:$0x7] =	stream.linear.gather [hbm4b:s16+s24], $0x100, $0x38;
	[tilespmem:$0x1E1F8] =	vst v63  }
0xa2: {  	_ =	swait.ge [sflag:s0], $0x100  }
0xa3: {  	[sflag:s0] =	ssyncset.done $0x0  }
0xa4: {  	s16 =	simm.s32 $0x100;
	s31 =	rddreg [dreg:$0x16];
	[sflag:s0] =	ssyncadd.s32 $0xFFFFFF00  }
0xa5: {  	[tilespmem:s16], [sflag:$0x7] =	stream.linear.gather [hbm4b:s31+s24], $0x100, $0x38;
	[tilespmem:$0x1E1F8] =	vst v63  }
0xa6: {  	_ =	swait.ge [sflag:s0], $0x100  }
0xa7: {  	[sflag:s0] =	ssyncset.done $0x0  }
0xa8: {  	p3 =	por @!p0 $0x0, $0x0;
	p4 =	por @!p1 $0x1, $0x1;
	[sflag:s0] =	ssyncadd.s32 $0xFFFFFF00  }
0xa9: {  	[tilespmem:s12], [sflag:$0x3] =	stream.indirect.gather [hbm4b:s1+s6], $0x80, s24, s6, $0xb8;
	[tilespmem:$0x1E1F8] =	vst v63  }
0xaa: {  	p4 =	por @!p2 p3, p3;
	p3 =	por $0x0, $0x0  }
0xab: {  	[tilespmem:s8], [sflag:$0x5] =	stream.indirect.gather [hbm4b:s1+s6], $0x80, s7, s6, $0xb8;
	[tilespmem:$0x1E1F8] =	vst v63  }
0xac: {  	p3 =	por @!p0 p4, p4  }
0xad: {  	[tilespmem:s9], [sflag:$0x4] =	stream.indirect.gather [hbm4b:s1+s6], $0x80, s16, s6, $0xb8;
	[tilespmem:$0x1E1F8] =	vst v63  }
0xae: {  	s31 =	simm.s32 $0x7A00;
	s30 =	rddreg [dreg:$0x15];
	s16 =	simm.s32 $0x180  }
0xaf: {  	[tilespmem:s31], [sflag:$0x6] =	stream.indirect.gather [hbm4b:s1+s6], $0x80, s16, s6, $0xb8;
	[tilespmem:$0x1E1F8] =	vst v63  }
.LBB2_6:
0xb0: {  	_ =	swait.ge [sflag:s10], $0x2800  }
0xb1: {  	[sflag:s10] =	ssyncset.done $0x0  }
0xb2: {  	[sflag:s10] =	ssyncadd.s32 $0xFFFFD800  }
0xb3: {  	_ =	swait.ge [sflag:s11], $0x2800  }
0xb4: {  	[sflag:s11] =	ssyncset.done $0x0  }
0xb5: {  	[sflag:s11] =	ssyncadd.s32 $0xFFFFD800  }
0xb6: {  	v1 =	vld [tilespmem:$0x80]  }
0xb7: {  	v2 =	vld [tilespmem:$0x90]  }
0xb8: {  	v3 =	vld [tilespmem:$0xA0]  }
0xb9: {  	v4 =	vld [tilespmem:$0xB0]  }
0xba: {  	v5 =	vld [tilespmem:$0xC0]  }
0xbb: {  	[tilespmem:$0xA680] =	vst v1  }
0xbc: {  	[tilespmem:$0xA690] =	vst v2  }
0xbd: {  	p4 =	seq.s32 s24, $0xF80;
	[tilespmem:$0xA6A0] =	vst v3  }
0xbe: {  	s31 =	sshrl.u32 @!p4 s30, $0x3;
	[tilespmem:$0xA6B0] =	vst v4  }
0xbf: {  	s15 =	simm.s32 @!p4 $0x0;
	s31 =	sadd.s32 @!p4 s2, s31;
	[tilespmem:$0xA6C0] =	vst v5  }
0xc0: {  	[tilespmem:s15], [sflag:$0x1] =	stream.linear.gather @!p4 [hbm4b:s31+s15], $0x100, $0x38;
	[tilespmem:$0x1E1F8] =	vst v63  }
0xc1: {  	v1 =	vld [tilespmem:$0x5200]  }
0xc2: {  	v2 =	vld [tilespmem:$0x5200]  }
0xc3: {  	v3 =	vld [tilespmem:$0x5200]  }
0xc4: {  	v62 =	vld [tilespmem:$0x5200]  }
0xc5: {  	v63 =	vld [tilespmem:$0x5200]  }
0xc6: {  	v1 =	vmul.f32 $0.0e+00, v1  }
0xc7: {  	v2 =	vmul.f32 $0.0e+00, v2  }
0xc8: {  	v3 =	vmul.f32 $0.0e+00, v3;
	v1 =	vadd.f32 $1.000000000e+00, v1  }
0xc9: {  	v4 =	vmul.f32 $0.0e+00, v62;
	v2 =	vadd.f32 $1.000000000e+00, v2  }
0xca: {  	[tilespmem:$0xA200] =	vst v1;
	v1 =	vadd.f32 $1.000000000e+00, v3;
	v3 =	vmul.f32 $0.0e+00, v63  }
0xcb: {  	[tilespmem:$0xA210] =	vst v2;
	v2 =	vadd.f32 $1.000000000e+00, v4  }
0xcc: {  	[tilespmem:$0xA220] =	vst v1;
	v1 =	vadd.f32 $1.000000000e+00, v3  }
0xcd: {  	[tilespmem:$0xA230] =	vst v2  }
0xce: {  	[tilespmem:$0xA240] =	vst v1  }
0xcf: {  	[spmem:s3] =	stream.indirect.scatter.add.f32 [tilespmem:s12], [sflag:$0x7], $0x80, s13, s6, $0xb8;
	[tilespmem:$0x1E1F8] =	vst v63  }
0xd0: {  	_ =	swait.ge [sflag:s0], $0x2800  }
0xd1: {  	[sflag:s0] =	ssyncset.done $0x0  }
.Ltmp4:
0xd2: {  	[sflag:s0] =	ssyncadd.s32 $0xFFFFD800;
	(pc) =	sbr.rel @p4 .LBB2_8-.Ltmp4, $4  }
0xd3: {  	[spmem:s14] =	stream.indirect.scatter.add.f32 [tilespmem:s23], [sflag:$0x7], $0x1, s13, s6, $0xb8;
	[tilespmem:$0x1E1F8] =	vst v63  }
0xd4: {  	_ =	swait.ge [sflag:s0], $0x50  }
0xd5: {  	[sflag:s0] =	ssyncset.done $0x0  }
0xd6: {  	[sflag:s0] =	ssyncadd.s32 $0xFFFFFFB0  }
0xd7: {  	_ =	swait.ge [sflag:s25], $0x100  }
0xd8: {  	[sflag:s25] =	ssyncset.done $0x0  }
0xd9: {  	[sflag:s25] =	ssyncadd.s32 $0xFFFFFF00  }
0xda: {  	[tilespmem:s12], [sflag:$0x3] =	stream.indirect.gather [hbm4b:s1+s6], $0x80, s4, s6, $0xb8;
	[tilespmem:$0x1E1F8] =	vst v63  }
0xdb: {  	_ = 	snop  }
0xdc: {  	[tilespmem:s8], [sflag:$0x5] =	stream.indirect.gather [hbm4b:s1+s6], $0x80, s7, s6, $0xb8;
	[tilespmem:$0x1E1F8] =	vst v63  }
0xdd: {  	_ =	swait.ge [sflag:s26], $0x2800  }
0xde: {  	[sflag:s26] =	ssyncset.done $0x0  }
0xdf: {  	[sflag:s26] =	ssyncadd.s32 $0xFFFFD800  }
0xe0: {  	_ =	swait.ge [sflag:s28], $0x2800  }
0xe1: {  	[sflag:s28] =	ssyncset.done $0x0  }
0xe2: {  	[sflag:s28] =	ssyncadd.s32 $0xFFFFD800  }
0xe3: {  	v1 =	vld [tilespmem:$0x180]  }
0xe4: {  	v2 =	vld [tilespmem:$0x190]  }
0xe5: {  	v3 =	vld [tilespmem:$0x1A0]  }
0xe6: {  	v4 =	vld [tilespmem:$0x1B0]  }
0xe7: {  	v5 =	vld [tilespmem:$0x1C0]  }
0xe8: {  	[tilespmem:$0xA680] =	vst v1  }
0xe9: {  	[tilespmem:$0xA690] =	vst v2  }
0xea: {  	[tilespmem:$0xA6A0] =	vst v3  }
0xeb: {  	p4 =	seq.s32 s24, $0xF40;
	[tilespmem:$0xA6B0] =	vst v4  }
0xec: {  	s15 =	sadd.s32 @!p4 s24, s29;
	s31 =	simm.s32 @!p4 $0x0;
	s16 =	simm.s32 @!p4 $0x100;
	[tilespmem:$0xA6C0] =	vst v5  }
0xed: {  	[tilespmem:s16], [sflag:$0x2] =	stream.linear.gather @!p4 [hbm4b:s15+s31], $0x100, $0x38;
	[tilespmem:$0x1E1F8] =	vst v63  }
0xee: {  	v1 =	vld [tilespmem:$0x7A00]  }
0xef: {  	v2 =	vld [tilespmem:$0x7A00]  }
0xf0: {  	v3 =	vld [tilespmem:$0x7A00]  }
0xf1: {  	v62 =	vld [tilespmem:$0x7A00]  }
0xf2: {  	v63 =	vld [tilespmem:$0x7A00]  }
0xf3: {  	v1 =	vmul.f32 $0.0e+00, v1  }
0xf4: {  	v2 =	vmul.f32 $0.0e+00, v2  }
0xf5: {  	v3 =	vmul.f32 $0.0e+00, v3;
	v1 =	vadd.f32 $1.000000000e+00, v1  }
0xf6: {  	v4 =	vmul.f32 $0.0e+00, v62;
	v2 =	vadd.f32 $1.000000000e+00, v2  }
0xf7: {  	[tilespmem:$0xA200] =	vst v1;
	v1 =	vadd.f32 $1.000000000e+00, v3;
	v3 =	vmul.f32 $0.0e+00, v63  }
0xf8: {  	[tilespmem:$0xA210] =	vst v2;
	v2 =	vadd.f32 $1.000000000e+00, v4  }
0xf9: {  	[tilespmem:$0xA220] =	vst v1;
	v1 =	vadd.f32 $1.000000000e+00, v3  }
0xfa: {  	[tilespmem:$0xA230] =	vst v2  }
0xfb: {  	[tilespmem:$0xA240] =	vst v1  }
0xfc: {  	[spmem:s3] =	stream.indirect.scatter.add.f32 [tilespmem:s9], [sflag:$0x7], $0x80, s13, s6, $0xb8;
	[tilespmem:$0x1E1F8] =	vst v63  }
0xfd: {  	_ =	swait.ge [sflag:s0], $0x2800  }
0xfe: {  	[sflag:s0] =	ssyncset.done $0x0  }
0xff: {  	[sflag:s0] =	ssyncadd.s32 $0xFFFFD800  }
0x100: {  	[spmem:s14] =	stream.indirect.scatter.add.f32 [tilespmem:s23], [sflag:$0x7], $0x1, s13, s6, $0xb8;
	[tilespmem:$0x1E1F8] =	vst v63  }
0x101: {  	_ =	swait.ge [sflag:s0], $0x50  }
0x102: {  	[sflag:s0] =	ssyncset.done $0x0  }
0x103: {  	s15 =	simm.s32 @!p4 $0x2;
	[sflag:s0] =	ssyncadd.s32 $0xFFFFFFB0  }
0x104: {  	_ =	swait.ge @!p4 [sflag:s15], $0x100  }
.Ltmp5:
0x105: {  	s30 =	sadd.s32 $0x200, s30;
	[sflag:s15] =	ssyncset.done @!p4 $0x0;
	(pc) =	sbr.rel .LBB2_6-.Ltmp5, $4  }
0x106: {  	s31 =	simm.s32 @!p4 $0x2A00;
	[sflag:s15] =	ssyncadd.s32 @!p4 $0xFFFFFF00;
	s15 =	simm.s32 @!p4 $0x50  }
0x107: {  	[tilespmem:s31], [sflag:$0x4] =	stream.indirect.gather @!p4 [hbm4b:s1+s15], $0x80, s16, s15, $0xb8;
	[tilespmem:$0x1E1F8] =	vst v63  }
0x108: {  	s24 =	sadd.s32 $0x40, s24;
	s16 =	simm.s32 @!p4 $0x180;
	s31 =	simm.s32 @!p4 $0x7A00  }
0x109: {  	[tilespmem:s31], [sflag:$0x6] =	stream.indirect.gather @!p4 [hbm4b:s1+s15], $0x80, s16, s15, $0xb8;
	[tilespmem:$0x1E1F8] =	vst v63  }
.LBB2_9:
0x10a: {  	_ =	sfence.sel $0x180000  }
0x10b: {  	[bflag:$0x0] =	sbarrier.arrive $0xFFFF  }
0x10c: {  	_ =	strace $0x90000047  }
0x10d: {  	s0 =	stileid.u32;
	[bflag:$0x2] =	sbarrier.arrive $0xFFFF  }
0x10e: {  	p0 =	sne.s32 s0, $0x0;
	s0 =	rddreg [dreg:$0x5]  }
0x10f: {  	s0 =	sadd.s32 @!p0 $0x100000, s0  }
0x110: {  	[sflag:s0] =	ssyncadd.tile.s32 @!p0 $0x1;
	_ =	shalt  }
.Lfunc_end2:
_tile_overlayer_lowered:
.L_overlay_start_2:
0x111: {  	(tag) =	ssettag $0x2  }
0x112: {  	s0 =	rddreg [dreg:$0x0];
	s2 =	stileid.u32  }
0x113: {  	s1 =	rddreg [dreg:$0x1];
	p0 =	sne.s32 s2, $0x0  }
0x114: {  	s3 =	rddreg [dreg:$0x2];
	[bflag:$0x3] =	sbarrier.arrive $0xFFFF;
	s2 =	simm.s32 @!p0 $0x1C07  }
0x115: {  	[timem:s3], [sflag:s2] =	dma.local @!p0 [hbm:s0], s1  }
0x116: {  	s0 =	simm.s32 @!p0 $0x7  }
0x117: {  	_ =	swait.ge @!p0 [sflag:s0], s1  }
0x118: {  	s1 =	ssub.s32 @!p0 $0x0, s1;
	[sflag:s0] =	ssyncset.done @!p0 $0x0  }
0x119: {  	[sflag:s0] =	ssyncadd.s32 @!p0 s1  }
0x11a: {  	[bflag:$0x3] =	sbarrier.arrive $0xFFFF  }
0x11b: {  	_ =	shalt  }

</sc_bundles>
